<compile_context>
chip_gen: v7x
topology: tpu7x:2x2x1
jax: 0.10.2.dev20260603
libtpu: 0.0.44.dev20260713+nightly
codegen_flags: <defaults>
</compile_context>

<pallas_src>
import functools

import jax
import jax.numpy as jnp
from jax import lax
from jax.experimental import pallas as pl
from jax.experimental.pallas import tpu as pltpu, tpu_sc as plsc

_B = 16384 * 200
_D = 5
_DP = 8
_NC, _NS = 2, 16
_NW = _NC * _NS
_BPW = _B // _NW
_C = 6400
_NCH = _BPW // _C


def _gather_body(idx_hbm, table_hbm, out_hbm,
                 idx_v0, idx_v1, rows_v0, rows_v1,
                 sem_i0, sem_i1, sem_g0, sem_g1, sem_o0, sem_o1):
    wid = lax.axis_index("s") * _NC + lax.axis_index("c")
    base0 = wid * _BPW
    idx_v = (idx_v0, idx_v1)
    rows_v = (rows_v0, rows_v1)
    sem_i = (sem_i0, sem_i1)
    sem_g = (sem_g0, sem_g1)
    sem_o = (sem_o0, sem_o1)

    def idx_dma(i):
        b = i % 2
        return pltpu.make_async_copy(
            idx_hbm.at[pl.ds(base0 + i * _C, _C)], idx_v[b], sem_i[b])

    def gather_dma(i):
        b = i % 2
        return pltpu.make_async_copy(
            table_hbm.at[idx_v[b]], rows_v[b], sem_g[b])

    def out_dma(i):
        b = i % 2
        return pltpu.make_async_copy(
            rows_v[b], out_hbm.at[pl.ds(base0 + i * _C, _C)], sem_o[b])

    idx_dma(0).start()
    idx_dma(1).start()
    idx_dma(0).wait()
    gather_dma(0).start()
    for i in range(_NCH):
        if i + 1 < _NCH:
            idx_dma(i + 1).wait()
            if i >= 1:
                out_dma(i - 1).wait()
            gather_dma(i).wait()
            gather_dma(i + 1).start()
        else:
            gather_dma(i).wait()
        out_dma(i).start()
        if i + 2 < _NCH:
            idx_dma(i + 2).start()
    out_dma(_NCH - 2).wait()
    out_dma(_NCH - 1).wait()


@functools.lru_cache(maxsize=1)
def _build():
    mesh = plsc.VectorSubcoreMesh(core_axis_name="c", subcore_axis_name="s")
    return pl.kernel(
        _gather_body,
        out_type=jax.ShapeDtypeStruct((_B, _DP), jnp.float32),
        mesh=mesh,
        scratch_types=[
            pltpu.VMEM((_C,), jnp.int32),
            pltpu.VMEM((_C,), jnp.int32),
            pltpu.VMEM((_C, _DP), jnp.float32),
            pltpu.VMEM((_C, _DP), jnp.float32),
            pltpu.SemaphoreType.DMA,
            pltpu.SemaphoreType.DMA,
            pltpu.SemaphoreType.DMA,
            pltpu.SemaphoreType.DMA,
            pltpu.SemaphoreType.DMA,
            pltpu.SemaphoreType.DMA,
        ],
        compiler_params=pltpu.CompilerParams(use_tc_tiling_on_sc=False),
    )


def kernel(dr_state, table):
    flat = dr_state.reshape(-1).astype(jnp.int32)
    table_p = jnp.pad(table, ((0, 0), (0, _DP - _D)))
    out = _build()(flat, table_p)[:, :_D]
    return jnp.where(flat[0] >= 0, out, jnp.float32(0))

# --- scband reference (transcript-rebuilt; emitter-appended) ---
"""Pipeline reference for scband-driving-state-34454227649049 (READ-ONLY COPY).

The authoritative reference and input builder live on the scoring server;
editing this copy changes nothing except your own understanding.
"""

import jax, jax.numpy as jnp
import numpy as np

VOCAB = 16000
EMB_DIM = 5

def setup_inputs(seed: int = 0) -> dict:
    key = jax.random.key(seed)
    k_idx, k_tab = jax.random.split(key)
    dr_state = jax.random.randint(k_idx, (16384, 200), 0, VOCAB, dtype=jnp.int64 if jax.config.jax_enable_x64 else jnp.int32)
    table = jax.random.normal(k_tab, (VOCAB, EMB_DIM), dtype=jnp.float32)
    return {"dr_state": dr_state, "table": table}

def reference(dr_state, table):
    # Faithful translation of DrivingState.forward:
    #   dr_state_t = dr_state['dr_state'].view(-1, 1)
    #   dr_state_t = torch.squeeze(embed(dr_state_t))
    flat = dr_state.reshape(-1, 1)              # [N, 1]
    emb = jnp.take(table, flat, axis=0)         # [N, 1, EMB_DIM]
    v_dri = jnp.squeeze(emb, axis=1)            # [N, EMB_DIM]
    return v_dri

if __name__ == "__main__":
    import jax
    _d = setup_inputs()
    print(jax.jit(kernel)(*tuple(_d.values())))

</pallas_src>

<mosaic_0001>
#map = affine_map<(d0, d1) -> (0)>
#map1 = affine_map<(d0, d1) -> (0, 0)>
module attributes {stable_mosaic.version = 14 : i64} {
  func.func @_gather_body(%arg0: i32, %arg1: i32, %arg2: memref<3276800xi32, #tpu.memory_space<hbm>>, %arg3: memref<16000x8xf32, #tpu.memory_space<hbm>>, %arg4: memref<3276800x8xf32, #tpu.memory_space<hbm>>, %arg5: memref<6400xi32, #tpu.memory_space<vmem>>, %arg6: memref<6400xi32, #tpu.memory_space<vmem>>, %arg7: memref<6400x8xf32, #tpu.memory_space<vmem>>, %arg8: memref<6400x8xf32, #tpu.memory_space<vmem>>, %arg9: memref<!tpu.dma_semaphore, #tpu.memory_space<semaphore_mem>>, %arg10: memref<!tpu.dma_semaphore, #tpu.memory_space<semaphore_mem>>, %arg11: memref<!tpu.dma_semaphore, #tpu.memory_space<semaphore_mem>>, %arg12: memref<!tpu.dma_semaphore, #tpu.memory_space<semaphore_mem>>, %arg13: memref<!tpu.dma_semaphore, #tpu.memory_space<semaphore_mem>>, %arg14: memref<!tpu.dma_semaphore, #tpu.memory_space<semaphore_mem>>) attributes {dimension_semantics = [#tpu.dimension_semantics<core_parallel>, #tpu.dimension_semantics<subcore_parallel>], iteration_bounds = array<i64: 2, 16>, scalar_prefetch = 0 : i64, scratch_operands = 10 : i64, tpu.core_type = #tpu.core_type<sc_vector_subcore>, window_params = [{transform_indices = #map}, {transform_indices = #map1}, {transform_indices = #map1}]} {
    %mul3A = arith.constant 2 : i32
    %mul3A_0 = arith.muli %arg1, %mul3A : i32
    %add3A = arith.addi %mul3A_0, %arg0 : i32
    %mul3A_1 = arith.constant 102400 : i32
    %mul3A_2 = arith.muli %add3A, %mul3A_1 : i32
    %add3A_3 = arith.constant 0 : i32
    %add3A_4 = arith.addi %mul3A_2, %add3A_3 : i32
    %dma_start3A = tpu.memref_slice %arg2[%add3A_4] : memref<3276800xi32, #tpu.memory_space<hbm>> -> memref<6400xi32, #tpu.memory_space<hbm>>
    %dma_start3A_5 = tpu.memref_slice %arg2[%add3A_4] : memref<3276800xi32, #tpu.memory_space<hbm>> -> memref<6400xi32, #tpu.memory_space<hbm>>
    tpu.enqueue_dma source(%dma_start3A_5 : memref<6400xi32, #tpu.memory_space<hbm>>) target(%arg5 : memref<6400xi32, #tpu.memory_space<vmem>>) target_semaphore(%arg9 : memref<!tpu.dma_semaphore, #tpu.memory_space<semaphore_mem>>)
    %add3A_6 = arith.constant 6400 : i32
    %add3A_7 = arith.addi %mul3A_2, %add3A_6 : i32
    %dma_start3A_8 = tpu.memref_slice %arg2[%add3A_7] : memref<3276800xi32, #tpu.memory_space<hbm>> -> memref<6400xi32, #tpu.memory_space<hbm>>
    %dma_start3A_9 = tpu.memref_slice %arg2[%add3A_7] : memref<3276800xi32, #tpu.memory_space<hbm>> -> memref<6400xi32, #tpu.memory_space<hbm>>
    tpu.enqueue_dma source(%dma_start3A_9 : memref<6400xi32, #tpu.memory_space<hbm>>) target(%arg6 : memref<6400xi32, #tpu.memory_space<vmem>>) target_semaphore(%arg10 : memref<!tpu.dma_semaphore, #tpu.memory_space<semaphore_mem>>)
    %add3A_10 = arith.constant 0 : i32
    %add3A_11 = arith.addi %mul3A_2, %add3A_10 : i32
    %dma_wait3A = tpu.memref_slice %arg2[%add3A_11] : memref<3276800xi32, #tpu.memory_space<hbm>> -> memref<6400xi32, #tpu.memory_space<hbm>>
    %dma_wait3A_12 = tpu.memref_slice %arg2[%add3A_11] : memref<3276800xi32, #tpu.memory_space<hbm>> -> memref<6400xi32, #tpu.memory_space<hbm>>
    tpu.wait_dma2 semaphore(%arg9 : memref<!tpu.dma_semaphore, #tpu.memory_space<semaphore_mem>>) src(%dma_wait3A_12 : memref<6400xi32, #tpu.memory_space<hbm>>) dst(%arg5 : memref<6400xi32, #tpu.memory_space<vmem>>)
    %dma_start3A_13 = arith.constant 0 : i32
    %dma_start3A_14 = arith.constant 0 : i32
    %dma_start3A_15 = tpu.memref_slice %arg3[%dma_start3A_13, %dma_start3A_14] : memref<16000x8xf32, #tpu.memory_space<hbm>> -> memref<16000x8xf32, #tpu.memory_space<hbm>>
    tpu.enqueue_indirect_dma source(%dma_start3A_15 : memref<16000x8xf32, #tpu.memory_space<hbm>>) target(%arg7 : memref<6400x8xf32, #tpu.memory_space<vmem>>) offsets(%arg5 : memref<6400xi32, #tpu.memory_space<vmem>>) semaphore(%arg11 : memref<!tpu.dma_semaphore, #tpu.memory_space<semaphore_mem>>)
    %add3A_16 = arith.constant 6400 : i32
    %add3A_17 = arith.addi %mul3A_2, %add3A_16 : i32
    %dma_wait3A_18 = tpu.memref_slice %arg2[%add3A_17] : memref<3276800xi32, #tpu.memory_space<hbm>> -> memref<6400xi32, #tpu.memory_space<hbm>>
    %dma_wait3A_19 = tpu.memref_slice %arg2[%add3A_17] : memref<3276800xi32, #tpu.memory_space<hbm>> -> memref<6400xi32, #tpu.memory_space<hbm>>
    tpu.wait_dma2 semaphore(%arg10 : memref<!tpu.dma_semaphore, #tpu.memory_space<semaphore_mem>>) src(%dma_wait3A_19 : memref<6400xi32, #tpu.memory_space<hbm>>) dst(%arg6 : memref<6400xi32, #tpu.memory_space<vmem>>)
    %dma_wait3A_20 = arith.constant 0 : i32
    %dma_wait3A_21 = arith.constant 0 : i32
    %dma_wait3A_22 = tpu.memref_slice %arg3[%dma_wait3A_20, %dma_wait3A_21] : memref<16000x8xf32, #tpu.memory_space<hbm>> -> memref<16000x8xf32, #tpu.memory_space<hbm>>
    tpu.wait_indirect_dma semaphore(%arg11 : memref<!tpu.dma_semaphore, #tpu.memory_space<semaphore_mem>>) src(%dma_wait3A_22 : memref<16000x8xf32, #tpu.memory_space<hbm>>) dst(%arg7 : memref<6400x8xf32, #tpu.memory_space<vmem>>)
    %dma_start3A_23 = arith.constant 0 : i32
    %dma_start3A_24 = arith.constant 0 : i32
    %dma_start3A_25 = tpu.memref_slice %arg3[%dma_start3A_23, %dma_start3A_24] : memref<16000x8xf32, #tpu.memory_space<hbm>> -> memref<16000x8xf32, #tpu.memory_space<hbm>>
    tpu.enqueue_indirect_dma source(%dma_start3A_25 : memref<16000x8xf32, #tpu.memory_space<hbm>>) target(%arg8 : memref<6400x8xf32, #tpu.memory_space<vmem>>) offsets(%arg6 : memref<6400xi32, #tpu.memory_space<vmem>>) semaphore(%arg12 : memref<!tpu.dma_semaphore, #tpu.memory_space<semaphore_mem>>)
    %add3A_26 = arith.constant 0 : i32
    %add3A_27 = arith.addi %mul3A_2, %add3A_26 : i32
    %dma_start3A_28 = arith.constant 0 : i32
    %dma_start3A_29 = tpu.memref_slice %arg4[%add3A_27, %dma_start3A_28] : memref<3276800x8xf32, #tpu.memory_space<hbm>> -> memref<6400x8xf32, #tpu.memory_space<hbm>>
    %dma_start3A_30 = arith.constant 0 : i32
    %dma_start3A_31 = tpu.memref_slice %arg4[%add3A_27, %dma_start3A_30] : memref<3276800x8xf32, #tpu.memory_space<hbm>> -> memref<6400x8xf32, #tpu.memory_space<hbm>>
    tpu.enqueue_dma source(%arg7 : memref<6400x8xf32, #tpu.memory_space<vmem>>) target(%dma_start3A_31 : memref<6400x8xf32, #tpu.memory_space<hbm>>) target_semaphore(%arg13 : memref<!tpu.dma_semaphore, #tpu.memory_space<semaphore_mem>>)
    %add3A_32 = arith.constant 12800 : i32
    %add3A_33 = arith.addi %mul3A_2, %add3A_32 : i32
    %dma_start3A_34 = tpu.memref_slice %arg2[%add3A_33] : memref<3276800xi32, #tpu.memory_space<hbm>> -> memref<6400xi32, #tpu.memory_space<hbm>>
    %dma_start3A_35 = tpu.memref_slice %arg2[%add3A_33] : memref<3276800xi32, #tpu.memory_space<hbm>> -> memref<6400xi32, #tpu.memory_space<hbm>>
    tpu.enqueue_dma source(%dma_start3A_35 : memref<6400xi32, #tpu.memory_space<hbm>>) target(%arg5 : memref<6400xi32, #tpu.memory_space<vmem>>) target_semaphore(%arg9 : memref<!tpu.dma_semaphore, #tpu.memory_space<semaphore_mem>>)
    %add3A_36 = arith.constant 12800 : i32
    %add3A_37 = arith.addi %mul3A_2, %add3A_36 : i32
    %dma_wait3A_38 = tpu.memref_slice %arg2[%add3A_37] : memref<3276800xi32, #tpu.memory_space<hbm>> -> memref<6400xi32, #tpu.memory_space<hbm>>
    %dma_wait3A_39 = tpu.memref_slice %arg2[%add3A_37] : memref<3276800xi32, #tpu.memory_space<hbm>> -> memref<6400xi32, #tpu.memory_space<hbm>>
    tpu.wait_dma2 semaphore(%arg9 : memref<!tpu.dma_semaphore, #tpu.memory_space<semaphore_mem>>) src(%dma_wait3A_39 : memref<6400xi32, #tpu.memory_space<hbm>>) dst(%arg5 : memref<6400xi32, #tpu.memory_space<vmem>>)
    %add3A_40 = arith.constant 0 : i32
    %add3A_41 = arith.addi %mul3A_2, %add3A_40 : i32
    %dma_wait3A_42 = arith.constant 0 : i32
    %dma_wait3A_43 = tpu.memref_slice %arg4[%add3A_41, %dma_wait3A_42] : memref<3276800x8xf32, #tpu.memory_space<hbm>> -> memref<6400x8xf32, #tpu.memory_space<hbm>>
    %dma_wait3A_44 = arith.constant 0 : i32
    %dma_wait3A_45 = tpu.memref_slice %arg4[%add3A_41, %dma_wait3A_44] : memref<3276800x8xf32, #tpu.memory_space<hbm>> -> memref<6400x8xf32, #tpu.memory_space<hbm>>
    tpu.wait_dma2 semaphore(%arg13 : memref<!tpu.dma_semaphore, #tpu.memory_space<semaphore_mem>>) src(%arg7 : memref<6400x8xf32, #tpu.memory_space<vmem>>) dst(%dma_wait3A_45 : memref<6400x8xf32, #tpu.memory_space<hbm>>)
    %dma_wait3A_46 = arith.constant 0 : i32
    %dma_wait3A_47 = arith.constant 0 : i32
    %dma_wait3A_48 = tpu.memref_slice %arg3[%dma_wait3A_46, %dma_wait3A_47] : memref<16000x8xf32, #tpu.memory_space<hbm>> -> memref<16000x8xf32, #tpu.memory_space<hbm>>
    tpu.wait_indirect_dma semaphore(%arg12 : memref<!tpu.dma_semaphore, #tpu.memory_space<semaphore_mem>>) src(%dma_wait3A_48 : memref<16000x8xf32, #tpu.memory_space<hbm>>) dst(%arg8 : memref<6400x8xf32, #tpu.memory_space<vmem>>)
    %dma_start3A_49 = arith.constant 0 : i32
    %dma_start3A_50 = arith.constant 0 : i32
    %dma_start3A_51 = tpu.memref_slice %arg3[%dma_start3A_49, %dma_start3A_50] : memref<16000x8xf32, #tpu.memory_space<hbm>> -> memref<16000x8xf32, #tpu.memory_space<hbm>>
    tpu.enqueue_indirect_dma source(%dma_start3A_51 : memref<16000x8xf32, #tpu.memory_space<hbm>>) target(%arg7 : memref<6400x8xf32, #tpu.memory_space<vmem>>) offsets(%arg5 : memref<6400xi32, #tpu.memory_space<vmem>>) semaphore(%arg11 : memref<!tpu.dma_semaphore, #tpu.memory_space<semaphore_mem>>)
    %add3A_52 = arith.constant 6400 : i32
    %add3A_53 = arith.addi %mul3A_2, %add3A_52 : i32
    %dma_start3A_54 = arith.constant 0 : i32
    %dma_start3A_55 = tpu.memref_slice %arg4[%add3A_53, %dma_start3A_54] : memref<3276800x8xf32, #tpu.memory_space<hbm>> -> memref<6400x8xf32, #tpu.memory_space<hbm>>
    %dma_start3A_56 = arith.constant 0 : i32
    %dma_start3A_57 = tpu.memref_slice %arg4[%add3A_53, %dma_start3A_56] : memref<3276800x8xf32, #tpu.memory_space<hbm>> -> memref<6400x8xf32, #tpu.memory_space<hbm>>
    tpu.enqueue_dma source(%arg8 : memref<6400x8xf32, #tpu.memory_space<vmem>>) target(%dma_start3A_57 : memref<6400x8xf32, #tpu.memory_space<hbm>>) target_semaphore(%arg14 : memref<!tpu.dma_semaphore, #tpu.memory_space<semaphore_mem>>)
    %add3A_58 = arith.constant 19200 : i32
    %add3A_59 = arith.addi %mul3A_2, %add3A_58 : i32
    %dma_start3A_60 = tpu.memref_slice %arg2[%add3A_59] : memref<3276800xi32, #tpu.memory_space<hbm>> -> memref<6400xi32, #tpu.memory_space<hbm>>
    %dma_start3A_61 = tpu.memref_slice %arg2[%add3A_59] : memref<3276800xi32, #tpu.memory_space<hbm>> -> memref<6400xi32, #tpu.memory_space<hbm>>
    tpu.enqueue_dma source(%dma_start3A_61 : memref<6400xi32, #tpu.memory_space<hbm>>) target(%arg6 : memref<6400xi32, #tpu.memory_space<vmem>>) target_semaphore(%arg10 : memref<!tpu.dma_semaphore, #tpu.memory_space<semaphore_mem>>)
    %add3A_62 = arith.constant 19200 : i32
    %add3A_63 = arith.addi %mul3A_2, %add3A_62 : i32
    %dma_wait3A_64 = tpu.memref_slice %arg2[%add3A_63] : memref<3276800xi32, #tpu.memory_space<hbm>> -> memref<6400xi32, #tpu.memory_space<hbm>>
    %dma_wait3A_65 = tpu.memref_slice %arg2[%add3A_63] : memref<3276800xi32, #tpu.memory_space<hbm>> -> memref<6400xi32, #tpu.memory_space<hbm>>
    tpu.wait_dma2 semaphore(%arg10 : memref<!tpu.dma_semaphore, #tpu.memory_space<semaphore_mem>>) src(%dma_wait3A_65 : memref<6400xi32, #tpu.memory_space<hbm>>) dst(%arg6 : memref<6400xi32, #tpu.memory_space<vmem>>)
    %add3A_66 = arith.constant 6400 : i32
    %add3A_67 = arith.addi %mul3A_2, %add3A_66 : i32
    %dma_wait3A_68 = arith.constant 0 : i32
    %dma_wait3A_69 = tpu.memref_slice %arg4[%add3A_67, %dma_wait3A_68] : memref<3276800x8xf32, #tpu.memory_space<hbm>> -> memref<6400x8xf32, #tpu.memory_space<hbm>>
    %dma_wait3A_70 = arith.constant 0 : i32
    %dma_wait3A_71 = tpu.memref_slice %arg4[%add3A_67, %dma_wait3A_70] : memref<3276800x8xf32, #tpu.memory_space<hbm>> -> memref<6400x8xf32, #tpu.memory_space<hbm>>
    tpu.wait_dma2 semaphore(%arg14 : memref<!tpu.dma_semaphore, #tpu.memory_space<semaphore_mem>>) src(%arg8 : memref<6400x8xf32, #tpu.memory_space<vmem>>) dst(%dma_wait3A_71 : memref<6400x8xf32, #tpu.memory_space<hbm>>)
    %dma_wait3A_72 = arith.constant 0 : i32
    %dma_wait3A_73 = arith.constant 0 : i32
    %dma_wait3A_74 = tpu.memref_slice %arg3[%dma_wait3A_72, %dma_wait3A_73] : memref<16000x8xf32, #tpu.memory_space<hbm>> -> memref<16000x8xf32, #tpu.memory_space<hbm>>
    tpu.wait_indirect_dma semaphore(%arg11 : memref<!tpu.dma_semaphore, #tpu.memory_space<semaphore_mem>>) src(%dma_wait3A_74 : memref<16000x8xf32, #tpu.memory_space<hbm>>) dst(%arg7 : memref<6400x8xf32, #tpu.memory_space<vmem>>)
    %dma_start3A_75 = arith.constant 0 : i32
    %dma_start3A_76 = arith.constant 0 : i32
    %dma_start3A_77 = tpu.memref_slice %arg3[%dma_start3A_75, %dma_start3A_76] : memref<16000x8xf32, #tpu.memory_space<hbm>> -> memref<16000x8xf32, #tpu.memory_space<hbm>>
    tpu.enqueue_indirect_dma source(%dma_start3A_77 : memref<16000x8xf32, #tpu.memory_space<hbm>>) target(%arg8 : memref<6400x8xf32, #tpu.memory_space<vmem>>) offsets(%arg6 : memref<6400xi32, #tpu.memory_space<vmem>>) semaphore(%arg12 : memref<!tpu.dma_semaphore, #tpu.memory_space<semaphore_mem>>)
    %add3A_78 = arith.constant 12800 : i32
    %add3A_79 = arith.addi %mul3A_2, %add3A_78 : i32
    %dma_start3A_80 = arith.constant 0 : i32
    %dma_start3A_81 = tpu.memref_slice %arg4[%add3A_79, %dma_start3A_80] : memref<3276800x8xf32, #tpu.memory_space<hbm>> -> memref<6400x8xf32, #tpu.memory_space<hbm>>
    %dma_start3A_82 = arith.constant 0 : i32
    %dma_start3A_83 = tpu.memref_slice %arg4[%add3A_79, %dma_start3A_82] : memref<3276800x8xf32, #tpu.memory_space<hbm>> -> memref<6400x8xf32, #tpu.memory_space<hbm>>
    tpu.enqueue_dma source(%arg7 : memref<6400x8xf32, #tpu.memory_space<vmem>>) target(%dma_start3A_83 : memref<6400x8xf32, #tpu.memory_space<hbm>>) target_semaphore(%arg13 : memref<!tpu.dma_semaphore, #tpu.memory_space<semaphore_mem>>)
    %add3A_84 = arith.constant 25600 : i32
    %add3A_85 = arith.addi %mul3A_2, %add3A_84 : i32
    %dma_start3A_86 = tpu.memref_slice %arg2[%add3A_85] : memref<3276800xi32, #tpu.memory_space<hbm>> -> memref<6400xi32, #tpu.memory_space<hbm>>
    %dma_start3A_87 = tpu.memref_slice %arg2[%add3A_85] : memref<3276800xi32, #tpu.memory_space<hbm>> -> memref<6400xi32, #tpu.memory_space<hbm>>
    tpu.enqueue_dma source(%dma_start3A_87 : memref<6400xi32, #tpu.memory_space<hbm>>) target(%arg5 : memref<6400xi32, #tpu.memory_space<vmem>>) target_semaphore(%arg9 : memref<!tpu.dma_semaphore, #tpu.memory_space<semaphore_mem>>)
    %add3A_88 = arith.constant 25600 : i32
    %add3A_89 = arith.addi %mul3A_2, %add3A_88 : i32
    %dma_wait3A_90 = tpu.memref_slice %arg2[%add3A_89] : memref<3276800xi32, #tpu.memory_space<hbm>> -> memref<6400xi32, #tpu.memory_space<hbm>>
    %dma_wait3A_91 = tpu.memref_slice %arg2[%add3A_89] : memref<3276800xi32, #tpu.memory_space<hbm>> -> memref<6400xi32, #tpu.memory_space<hbm>>
    tpu.wait_dma2 semaphore(%arg9 : memref<!tpu.dma_semaphore, #tpu.memory_space<semaphore_mem>>) src(%dma_wait3A_91 : memref<6400xi32, #tpu.memory_space<hbm>>) dst(%arg5 : memref<6400xi32, #tpu.memory_space<vmem>>)
    %add3A_92 = arith.constant 12800 : i32
    %add3A_93 = arith.addi %mul3A_2, %add3A_92 : i32
    %dma_wait3A_94 = arith.constant 0 : i32
    %dma_wait3A_95 = tpu.memref_slice %arg4[%add3A_93, %dma_wait3A_94] : memref<3276800x8xf32, #tpu.memory_space<hbm>> -> memref<6400x8xf32, #tpu.memory_space<hbm>>
    %dma_wait3A_96 = arith.constant 0 : i32
    %dma_wait3A_97 = tpu.memref_slice %arg4[%add3A_93, %dma_wait3A_96] : memref<3276800x8xf32, #tpu.memory_space<hbm>> -> memref<6400x8xf32, #tpu.memory_space<hbm>>
    tpu.wait_dma2 semaphore(%arg13 : memref<!tpu.dma_semaphore, #tpu.memory_space<semaphore_mem>>) src(%arg7 : memref<6400x8xf32, #tpu.memory_space<vmem>>) dst(%dma_wait3A_97 : memref<6400x8xf32, #tpu.memory_space<hbm>>)
    %dma_wait3A_98 = arith.constant 0 : i32
    %dma_wait3A_99 = arith.constant 0 : i32
    %dma_wait3A_100 = tpu.memref_slice %arg3[%dma_wait3A_98, %dma_wait3A_99] : memref<16000x8xf32, #tpu.memory_space<hbm>> -> memref<16000x8xf32, #tpu.memory_space<hbm>>
    tpu.wait_indirect_dma semaphore(%arg12 : memref<!tpu.dma_semaphore, #tpu.memory_space<semaphore_mem>>) src(%dma_wait3A_100 : memref<16000x8xf32, #tpu.memory_space<hbm>>) dst(%arg8 : memref<6400x8xf32, #tpu.memory_space<vmem>>)
    %dma_start3A_101 = arith.constant 0 : i32
    %dma_start3A_102 = arith.constant 0 : i32
    %dma_start3A_103 = tpu.memref_slice %arg3[%dma_start3A_101, %dma_start3A_102] : memref<16000x8xf32, #tpu.memory_space<hbm>> -> memref<16000x8xf32, #tpu.memory_space<hbm>>
    tpu.enqueue_indirect_dma source(%dma_start3A_103 : memref<16000x8xf32, #tpu.memory_space<hbm>>) target(%arg7 : memref<6400x8xf32, #tpu.memory_space<vmem>>) offsets(%arg5 : memref<6400xi32, #tpu.memory_space<vmem>>) semaphore(%arg11 : memref<!tpu.dma_semaphore, #tpu.memory_space<semaphore_mem>>)
    %add3A_104 = arith.constant 19200 : i32
    %add3A_105 = arith.addi %mul3A_2, %add3A_104 : i32
    %dma_start3A_106 = arith.constant 0 : i32
    %dma_start3A_107 = tpu.memref_slice %arg4[%add3A_105, %dma_start3A_106] : memref<3276800x8xf32, #tpu.memory_space<hbm>> -> memref<6400x8xf32, #tpu.memory_space<hbm>>
    %dma_start3A_108 = arith.constant 0 : i32
    %dma_start3A_109 = tpu.memref_slice %arg4[%add3A_105, %dma_start3A_108] : memref<3276800x8xf32, #tpu.memory_space<hbm>> -> memref<6400x8xf32, #tpu.memory_space<hbm>>
    tpu.enqueue_dma source(%arg8 : memref<6400x8xf32, #tpu.memory_space<vmem>>) target(%dma_start3A_109 : memref<6400x8xf32, #tpu.memory_space<hbm>>) target_semaphore(%arg14 : memref<!tpu.dma_semaphore, #tpu.memory_space<semaphore_mem>>)
    %add3A_110 = arith.constant 32000 : i32
    %add3A_111 = arith.addi %mul3A_2, %add3A_110 : i32
    %dma_start3A_112 = tpu.memref_slice %arg2[%add3A_111] : memref<3276800xi32, #tpu.memory_space<hbm>> -> memref<6400xi32, #tpu.memory_space<hbm>>
    %dma_start3A_113 = tpu.memref_slice %arg2[%add3A_111] : memref<3276800xi32, #tpu.memory_space<hbm>> -> memref<6400xi32, #tpu.memory_space<hbm>>
    tpu.enqueue_dma source(%dma_start3A_113 : memref<6400xi32, #tpu.memory_space<hbm>>) target(%arg6 : memref<6400xi32, #tpu.memory_space<vmem>>) target_semaphore(%arg10 : memref<!tpu.dma_semaphore, #tpu.memory_space<semaphore_mem>>)
    %add3A_114 = arith.constant 32000 : i32
    %add3A_115 = arith.addi %mul3A_2, %add3A_114 : i32
    %dma_wait3A_116 = tpu.memref_slice %arg2[%add3A_115] : memref<3276800xi32, #tpu.memory_space<hbm>> -> memref<6400xi32, #tpu.memory_space<hbm>>
    %dma_wait3A_117 = tpu.memref_slice %arg2[%add3A_115] : memref<3276800xi32, #tpu.memory_space<hbm>> -> memref<6400xi32, #tpu.memory_space<hbm>>
    tpu.wait_dma2 semaphore(%arg10 : memref<!tpu.dma_semaphore, #tpu.memory_space<semaphore_mem>>) src(%dma_wait3A_117 : memref<6400xi32, #tpu.memory_space<hbm>>) dst(%arg6 : memref<6400xi32, #tpu.memory_space<vmem>>)
    %add3A_118 = arith.constant 19200 : i32
    %add3A_119 = arith.addi %mul3A_2, %add3A_118 : i32
    %dma_wait3A_120 = arith.constant 0 : i32
    %dma_wait3A_121 = tpu.memref_slice %arg4[%add3A_119, %dma_wait3A_120] : memref<3276800x8xf32, #tpu.memory_space<hbm>> -> memref<6400x8xf32, #tpu.memory_space<hbm>>
    %dma_wait3A_122 = arith.constant 0 : i32
    %dma_wait3A_123 = tpu.memref_slice %arg4[%add3A_119, %dma_wait3A_122] : memref<3276800x8xf32, #tpu.memory_space<hbm>> -> memref<6400x8xf32, #tpu.memory_space<hbm>>
    tpu.wait_dma2 semaphore(%arg14 : memref<!tpu.dma_semaphore, #tpu.memory_space<semaphore_mem>>) src(%arg8 : memref<6400x8xf32, #tpu.memory_space<vmem>>) dst(%dma_wait3A_123 : memref<6400x8xf32, #tpu.memory_space<hbm>>)
    %dma_wait3A_124 = arith.constant 0 : i32
    %dma_wait3A_125 = arith.constant 0 : i32
    %dma_wait3A_126 = tpu.memref_slice %arg3[%dma_wait3A_124, %dma_wait3A_125] : memref<16000x8xf32, #tpu.memory_space<hbm>> -> memref<16000x8xf32, #tpu.memory_space<hbm>>
    tpu.wait_indirect_dma semaphore(%arg11 : memref<!tpu.dma_semaphore, #tpu.memory_space<semaphore_mem>>) src(%dma_wait3A_126 : memref<16000x8xf32, #tpu.memory_space<hbm>>) dst(%arg7 : memref<6400x8xf32, #tpu.memory_space<vmem>>)
    %dma_start3A_127 = arith.constant 0 : i32
    %dma_start3A_128 = arith.constant 0 : i32
    %dma_start3A_129 = tpu.memref_slice %arg3[%dma_start3A_127, %dma_start3A_128] : memref<16000x8xf32, #tpu.memory_space<hbm>> -> memref<16000x8xf32, #tpu.memory_space<hbm>>
    tpu.enqueue_indirect_dma source(%dma_start3A_129 : memref<16000x8xf32, #tpu.memory_space<hbm>>) target(%arg8 : memref<6400x8xf32, #tpu.memory_space<vmem>>) offsets(%arg6 : memref<6400xi32, #tpu.memory_space<vmem>>) semaphore(%arg12 : memref<!tpu.dma_semaphore, #tpu.memory_space<semaphore_mem>>)
    %add3A_130 = arith.constant 25600 : i32
    %add3A_131 = arith.addi %mul3A_2, %add3A_130 : i32
    %dma_start3A_132 = arith.constant 0 : i32
    %dma_start3A_133 = tpu.memref_slice %arg4[%add3A_131, %dma_start3A_132] : memref<3276800x8xf32, #tpu.memory_space<hbm>> -> memref<6400x8xf32, #tpu.memory_space<hbm>>
    %dma_start3A_134 = arith.constant 0 : i32
    %dma_start3A_135 = tpu.memref_slice %arg4[%add3A_131, %dma_start3A_134] : memref<3276800x8xf32, #tpu.memory_space<hbm>> -> memref<6400x8xf32, #tpu.memory_space<hbm>>
    tpu.enqueue_dma source(%arg7 : memref<6400x8xf32, #tpu.memory_space<vmem>>) target(%dma_start3A_135 : memref<6400x8xf32, #tpu.memory_space<hbm>>) target_semaphore(%arg13 : memref<!tpu.dma_semaphore, #tpu.memory_space<semaphore_mem>>)
    %add3A_136 = arith.constant 38400 : i32
    %add3A_137 = arith.addi %mul3A_2, %add3A_136 : i32
    %dma_start3A_138 = tpu.memref_slice %arg2[%add3A_137] : memref<3276800xi32, #tpu.memory_space<hbm>> -> memref<6400xi32, #tpu.memory_space<hbm>>
    %dma_start3A_139 = tpu.memref_slice %arg2[%add3A_137] : memref<3276800xi32, #tpu.memory_space<hbm>> -> memref<6400xi32, #tpu.memory_space<hbm>>
    tpu.enqueue_dma source(%dma_start3A_139 : memref<6400xi32, #tpu.memory_space<hbm>>) target(%arg5 : memref<6400xi32, #tpu.memory_space<vmem>>) target_semaphore(%arg9 : memref<!tpu.dma_semaphore, #tpu.memory_space<semaphore_mem>>)
    %add3A_140 = arith.constant 38400 : i32
    %add3A_141 = arith.addi %mul3A_2, %add3A_140 : i32
    %dma_wait3A_142 = tpu.memref_slice %arg2[%add3A_141] : memref<3276800xi32, #tpu.memory_space<hbm>> -> memref<6400xi32, #tpu.memory_space<hbm>>
    %dma_wait3A_143 = tpu.memref_slice %arg2[%add3A_141] : memref<3276800xi32, #tpu.memory_space<hbm>> -> memref<6400xi32, #tpu.memory_space<hbm>>
    tpu.wait_dma2 semaphore(%arg9 : memref<!tpu.dma_semaphore, #tpu.memory_space<semaphore_mem>>) src(%dma_wait3A_143 : memref<6400xi32, #tpu.memory_space<hbm>>) dst(%arg5 : memref<6400xi32, #tpu.memory_space<vmem>>)
    %add3A_144 = arith.constant 25600 : i32
    %add3A_145 = arith.addi %mul3A_2, %add3A_144 : i32
    %dma_wait3A_146 = arith.constant 0 : i32
    %dma_wait3A_147 = tpu.memref_slice %arg4[%add3A_145, %dma_wait3A_146] : memref<3276800x8xf32, #tpu.memory_space<hbm>> -> memref<6400x8xf32, #tpu.memory_space<hbm>>
    %dma_wait3A_148 = arith.constant 0 : i32
    %dma_wait3A_149 = tpu.memref_slice %arg4[%add3A_145, %dma_wait3A_148] : memref<3276800x8xf32, #tpu.memory_space<hbm>> -> memref<6400x8xf32, #tpu.memory_space<hbm>>
    tpu.wait_dma2 semaphore(%arg13 : memref<!tpu.dma_semaphore, #tpu.memory_space<semaphore_mem>>) src(%arg7 : memref<6400x8xf32, #tpu.memory_space<vmem>>) dst(%dma_wait3A_149 : memref<6400x8xf32, #tpu.memory_space<hbm>>)
    %dma_wait3A_150 = arith.constant 0 : i32
    %dma_wait3A_151 = arith.constant 0 : i32
    %dma_wait3A_152 = tpu.memref_slice %arg3[%dma_wait3A_150, %dma_wait3A_151] : memref<16000x8xf32, #tpu.memory_space<hbm>> -> memref<16000x8xf32, #tpu.memory_space<hbm>>
    tpu.wait_indirect_dma semaphore(%arg12 : memref<!tpu.dma_semaphore, #tpu.memory_space<semaphore_mem>>) src(%dma_wait3A_152 : memref<16000x8xf32, #tpu.memory_space<hbm>>) dst(%arg8 : memref<6400x8xf32, #tpu.memory_space<vmem>>)
    %dma_start3A_153 = arith.constant 0 : i32
    %dma_start3A_154 = arith.constant 0 : i32
    %dma_start3A_155 = tpu.memref_slice %arg3[%dma_start3A_153, %dma_start3A_154] : memref<16000x8xf32, #tpu.memory_space<hbm>> -> memref<16000x8xf32, #tpu.memory_space<hbm>>
    tpu.enqueue_indirect_dma source(%dma_start3A_155 : memref<16000x8xf32, #tpu.memory_space<hbm>>) target(%arg7 : memref<6400x8xf32, #tpu.memory_space<vmem>>) offsets(%arg5 : memref<6400xi32, #tpu.memory_space<vmem>>) semaphore(%arg11 : memref<!tpu.dma_semaphore, #tpu.memory_space<semaphore_mem>>)
    %add3A_156 = arith.constant 32000 : i32
    %add3A_157 = arith.addi %mul3A_2, %add3A_156 : i32
    %dma_start3A_158 = arith.constant 0 : i32
    %dma_start3A_159 = tpu.memref_slice %arg4[%add3A_157, %dma_start3A_158] : memref<3276800x8xf32, #tpu.memory_space<hbm>> -> memref<6400x8xf32, #tpu.memory_space<hbm>>
    %dma_start3A_160 = arith.constant 0 : i32
    %dma_start3A_161 = tpu.memref_slice %arg4[%add3A_157, %dma_start3A_160] : memref<3276800x8xf32, #tpu.memory_space<hbm>> -> memref<6400x8xf32, #tpu.memory_space<hbm>>
    tpu.enqueue_dma source(%arg8 : memref<6400x8xf32, #tpu.memory_space<vmem>>) target(%dma_start3A_161 : memref<6400x8xf32, #tpu.memory_space<hbm>>) target_semaphore(%arg14 : memref<!tpu.dma_semaphore, #tpu.memory_space<semaphore_mem>>)
    %add3A_162 = arith.constant 44800 : i32
    %add3A_163 = arith.addi %mul3A_2, %add3A_162 : i32
    %dma_start3A_164 = tpu.memref_slice %arg2[%add3A_163] : memref<3276800xi32, #tpu.memory_space<hbm>> -> memref<6400xi32, #tpu.memory_space<hbm>>
    %dma_start3A_165 = tpu.memref_slice %arg2[%add3A_163] : memref<3276800xi32, #tpu.memory_space<hbm>> -> memref<6400xi32, #tpu.memory_space<hbm>>
    tpu.enqueue_dma source(%dma_start3A_165 : memref<6400xi32, #tpu.memory_space<hbm>>) target(%arg6 : memref<6400xi32, #tpu.memory_space<vmem>>) target_semaphore(%arg10 : memref<!tpu.dma_semaphore, #tpu.memory_space<semaphore_mem>>)
    %add3A_166 = arith.constant 44800 : i32
    %add3A_167 = arith.addi %mul3A_2, %add3A_166 : i32
    %dma_wait3A_168 = tpu.memref_slice %arg2[%add3A_167] : memref<3276800xi32, #tpu.memory_space<hbm>> -> memref<6400xi32, #tpu.memory_space<hbm>>
    %dma_wait3A_169 = tpu.memref_slice %arg2[%add3A_167] : memref<3276800xi32, #tpu.memory_space<hbm>> -> memref<6400xi32, #tpu.memory_space<hbm>>
    tpu.wait_dma2 semaphore(%arg10 : memref<!tpu.dma_semaphore, #tpu.memory_space<semaphore_mem>>) src(%dma_wait3A_169 : memref<6400xi32, #tpu.memory_space<hbm>>) dst(%arg6 : memref<6400xi32, #tpu.memory_space<vmem>>)
    %add3A_170 = arith.constant 32000 : i32
    %add3A_171 = arith.addi %mul3A_2, %add3A_170 : i32
    %dma_wait3A_172 = arith.constant 0 : i32
    %dma_wait3A_173 = tpu.memref_slice %arg4[%add3A_171, %dma_wait3A_172] : memref<3276800x8xf32, #tpu.memory_space<hbm>> -> memref<6400x8xf32, #tpu.memory_space<hbm>>
    %dma_wait3A_174 = arith.constant 0 : i32
    %dma_wait3A_175 = tpu.memref_slice %arg4[%add3A_171, %dma_wait3A_174] : memref<3276800x8xf32, #tpu.memory_space<hbm>> -> memref<6400x8xf32, #tpu.memory_space<hbm>>
    tpu.wait_dma2 semaphore(%arg14 : memref<!tpu.dma_semaphore, #tpu.memory_space<semaphore_mem>>) src(%arg8 : memref<6400x8xf32, #tpu.memory_space<vmem>>) dst(%dma_wait3A_175 : memref<6400x8xf32, #tpu.memory_space<hbm>>)
    %dma_wait3A_176 = arith.constant 0 : i32
    %dma_wait3A_177 = arith.constant 0 : i32
    %dma_wait3A_178 = tpu.memref_slice %arg3[%dma_wait3A_176, %dma_wait3A_177] : memref<16000x8xf32, #tpu.memory_space<hbm>> -> memref<16000x8xf32, #tpu.memory_space<hbm>>
    tpu.wait_indirect_dma semaphore(%arg11 : memref<!tpu.dma_semaphore, #tpu.memory_space<semaphore_mem>>) src(%dma_wait3A_178 : memref<16000x8xf32, #tpu.memory_space<hbm>>) dst(%arg7 : memref<6400x8xf32, #tpu.memory_space<vmem>>)
    %dma_start3A_179 = arith.constant 0 : i32
    %dma_start3A_180 = arith.constant 0 : i32
    %dma_start3A_181 = tpu.memref_slice %arg3[%dma_start3A_179, %dma_start3A_180] : memref<16000x8xf32, #tpu.memory_space<hbm>> -> memref<16000x8xf32, #tpu.memory_space<hbm>>
    tpu.enqueue_indirect_dma source(%dma_start3A_181 : memref<16000x8xf32, #tpu.memory_space<hbm>>) target(%arg8 : memref<6400x8xf32, #tpu.memory_space<vmem>>) offsets(%arg6 : memref<6400xi32, #tpu.memory_space<vmem>>) semaphore(%arg12 : memref<!tpu.dma_semaphore, #tpu.memory_space<semaphore_mem>>)
    %add3A_182 = arith.constant 38400 : i32
    %add3A_183 = arith.addi %mul3A_2, %add3A_182 : i32
    %dma_start3A_184 = arith.constant 0 : i32
    %dma_start3A_185 = tpu.memref_slice %arg4[%add3A_183, %dma_start3A_184] : memref<3276800x8xf32, #tpu.memory_space<hbm>> -> memref<6400x8xf32, #tpu.memory_space<hbm>>
    %dma_start3A_186 = arith.constant 0 : i32
    %dma_start3A_187 = tpu.memref_slice %arg4[%add3A_183, %dma_start3A_186] : memref<3276800x8xf32, #tpu.memory_space<hbm>> -> memref<6400x8xf32, #tpu.memory_space<hbm>>
    tpu.enqueue_dma source(%arg7 : memref<6400x8xf32, #tpu.memory_space<vmem>>) target(%dma_start3A_187 : memref<6400x8xf32, #tpu.memory_space<hbm>>) target_semaphore(%arg13 : memref<!tpu.dma_semaphore, #tpu.memory_space<semaphore_mem>>)
    %add3A_188 = arith.constant 51200 : i32
    %add3A_189 = arith.addi %mul3A_2, %add3A_188 : i32
    %dma_start3A_190 = tpu.memref_slice %arg2[%add3A_189] : memref<3276800xi32, #tpu.memory_space<hbm>> -> memref<6400xi32, #tpu.memory_space<hbm>>
    %dma_start3A_191 = tpu.memref_slice %arg2[%add3A_189] : memref<3276800xi32, #tpu.memory_space<hbm>> -> memref<6400xi32, #tpu.memory_space<hbm>>
    tpu.enqueue_dma source(%dma_start3A_191 : memref<6400xi32, #tpu.memory_space<hbm>>) target(%arg5 : memref<6400xi32, #tpu.memory_space<vmem>>) target_semaphore(%arg9 : memref<!tpu.dma_semaphore, #tpu.memory_space<semaphore_mem>>)
    %add3A_192 = arith.constant 51200 : i32
    %add3A_193 = arith.addi %mul3A_2, %add3A_192 : i32
    %dma_wait3A_194 = tpu.memref_slice %arg2[%add3A_193] : memref<3276800xi32, #tpu.memory_space<hbm>> -> memref<6400xi32, #tpu.memory_space<hbm>>
    %dma_wait3A_195 = tpu.memref_slice %arg2[%add3A_193] : memref<3276800xi32, #tpu.memory_space<hbm>> -> memref<6400xi32, #tpu.memory_space<hbm>>
    tpu.wait_dma2 semaphore(%arg9 : memref<!tpu.dma_semaphore, #tpu.memory_space<semaphore_mem>>) src(%dma_wait3A_195 : memref<6400xi32, #tpu.memory_space<hbm>>) dst(%arg5 : memref<6400xi32, #tpu.memory_space<vmem>>)
    %add3A_196 = arith.constant 38400 : i32
    %add3A_197 = arith.addi %mul3A_2, %add3A_196 : i32
    %dma_wait3A_198 = arith.constant 0 : i32
    %dma_wait3A_199 = tpu.memref_slice %arg4[%add3A_197, %dma_wait3A_198] : memref<3276800x8xf32, #tpu.memory_space<hbm>> -> memref<6400x8xf32, #tpu.memory_space<hbm>>
    %dma_wait3A_200 = arith.constant 0 : i32
    %dma_wait3A_201 = tpu.memref_slice %arg4[%add3A_197, %dma_wait3A_200] : memref<3276800x8xf32, #tpu.memory_space<hbm>> -> memref<6400x8xf32, #tpu.memory_space<hbm>>
    tpu.wait_dma2 semaphore(%arg13 : memref<!tpu.dma_semaphore, #tpu.memory_space<semaphore_mem>>) src(%arg7 : memref<6400x8xf32, #tpu.memory_space<vmem>>) dst(%dma_wait3A_201 : memref<6400x8xf32, #tpu.memory_space<hbm>>)
    %dma_wait3A_202 = arith.constant 0 : i32
    %dma_wait3A_203 = arith.constant 0 : i32
    %dma_wait3A_204 = tpu.memref_slice %arg3[%dma_wait3A_202, %dma_wait3A_203] : memref<16000x8xf32, #tpu.memory_space<hbm>> -> memref<16000x8xf32, #tpu.memory_space<hbm>>
    tpu.wait_indirect_dma semaphore(%arg12 : memref<!tpu.dma_semaphore, #tpu.memory_space<semaphore_mem>>) src(%dma_wait3A_204 : memref<16000x8xf32, #tpu.memory_space<hbm>>) dst(%arg8 : memref<6400x8xf32, #tpu.memory_space<vmem>>)
    %dma_start3A_205 = arith.constant 0 : i32
    %dma_start3A_206 = arith.constant 0 : i32
    %dma_start3A_207 = tpu.memref_slice %arg3[%dma_start3A_205, %dma_start3A_206] : memref<16000x8xf32, #tpu.memory_space<hbm>> -> memref<16000x8xf32, #tpu.memory_space<hbm>>
    tpu.enqueue_indirect_dma source(%dma_start3A_207 : memref<16000x8xf32, #tpu.memory_space<hbm>>) target(%arg7 : memref<6400x8xf32, #tpu.memory_space<vmem>>) offsets(%arg5 : memref<6400xi32, #tpu.memory_space<vmem>>) semaphore(%arg11 : memref<!tpu.dma_semaphore, #tpu.memory_space<semaphore_mem>>)
    %add3A_208 = arith.constant 44800 : i32
    %add3A_209 = arith.addi %mul3A_2, %add3A_208 : i32
    %dma_start3A_210 = arith.constant 0 : i32
    %dma_start3A_211 = tpu.memref_slice %arg4[%add3A_209, %dma_start3A_210] : memref<3276800x8xf32, #tpu.memory_space<hbm>> -> memref<6400x8xf32, #tpu.memory_space<hbm>>
    %dma_start3A_212 = arith.constant 0 : i32
    %dma_start3A_213 = tpu.memref_slice %arg4[%add3A_209, %dma_start3A_212] : memref<3276800x8xf32, #tpu.memory_space<hbm>> -> memref<6400x8xf32, #tpu.memory_space<hbm>>
    tpu.enqueue_dma source(%arg8 : memref<6400x8xf32, #tpu.memory_space<vmem>>) target(%dma_start3A_213 : memref<6400x8xf32, #tpu.memory_space<hbm>>) target_semaphore(%arg14 : memref<!tpu.dma_semaphore, #tpu.memory_space<semaphore_mem>>)
    %add3A_214 = arith.constant 57600 : i32
    %add3A_215 = arith.addi %mul3A_2, %add3A_214 : i32
    %dma_start3A_216 = tpu.memref_slice %arg2[%add3A_215] : memref<3276800xi32, #tpu.memory_space<hbm>> -> memref<6400xi32, #tpu.memory_space<hbm>>
    %dma_start3A_217 = tpu.memref_slice %arg2[%add3A_215] : memref<3276800xi32, #tpu.memory_space<hbm>> -> memref<6400xi32, #tpu.memory_space<hbm>>
    tpu.enqueue_dma source(%dma_start3A_217 : memref<6400xi32, #tpu.memory_space<hbm>>) target(%arg6 : memref<6400xi32, #tpu.memory_space<vmem>>) target_semaphore(%arg10 : memref<!tpu.dma_semaphore, #tpu.memory_space<semaphore_mem>>)
    %add3A_218 = arith.constant 57600 : i32
    %add3A_219 = arith.addi %mul3A_2, %add3A_218 : i32
    %dma_wait3A_220 = tpu.memref_slice %arg2[%add3A_219] : memref<3276800xi32, #tpu.memory_space<hbm>> -> memref<6400xi32, #tpu.memory_space<hbm>>
    %dma_wait3A_221 = tpu.memref_slice %arg2[%add3A_219] : memref<3276800xi32, #tpu.memory_space<hbm>> -> memref<6400xi32, #tpu.memory_space<hbm>>
    tpu.wait_dma2 semaphore(%arg10 : memref<!tpu.dma_semaphore, #tpu.memory_space<semaphore_mem>>) src(%dma_wait3A_221 : memref<6400xi32, #tpu.memory_space<hbm>>) dst(%arg6 : memref<6400xi32, #tpu.memory_space<vmem>>)
    %add3A_222 = arith.constant 44800 : i32
    %add3A_223 = arith.addi %mul3A_2, %add3A_222 : i32
    %dma_wait3A_224 = arith.constant 0 : i32
    %dma_wait3A_225 = tpu.memref_slice %arg4[%add3A_223, %dma_wait3A_224] : memref<3276800x8xf32, #tpu.memory_space<hbm>> -> memref<6400x8xf32, #tpu.memory_space<hbm>>
    %dma_wait3A_226 = arith.constant 0 : i32
    %dma_wait3A_227 = tpu.memref_slice %arg4[%add3A_223, %dma_wait3A_226] : memref<3276800x8xf32, #tpu.memory_space<hbm>> -> memref<6400x8xf32, #tpu.memory_space<hbm>>
    tpu.wait_dma2 semaphore(%arg14 : memref<!tpu.dma_semaphore, #tpu.memory_space<semaphore_mem>>) src(%arg8 : memref<6400x8xf32, #tpu.memory_space<vmem>>) dst(%dma_wait3A_227 : memref<6400x8xf32, #tpu.memory_space<hbm>>)
    %dma_wait3A_228 = arith.constant 0 : i32
    %dma_wait3A_229 = arith.constant 0 : i32
    %dma_wait3A_230 = tpu.memref_slice %arg3[%dma_wait3A_228, %dma_wait3A_229] : memref<16000x8xf32, #tpu.memory_space<hbm>> -> memref<16000x8xf32, #tpu.memory_space<hbm>>
    tpu.wait_indirect_dma semaphore(%arg11 : memref<!tpu.dma_semaphore, #tpu.memory_space<semaphore_mem>>) src(%dma_wait3A_230 : memref<16000x8xf32, #tpu.memory_space<hbm>>) dst(%arg7 : memref<6400x8xf32, #tpu.memory_space<vmem>>)
    %dma_start3A_231 = arith.constant 0 : i32
    %dma_start3A_232 = arith.constant 0 : i32
    %dma_start3A_233 = tpu.memref_slice %arg3[%dma_start3A_231, %dma_start3A_232] : memref<16000x8xf32, #tpu.memory_space<hbm>> -> memref<16000x8xf32, #tpu.memory_space<hbm>>
    tpu.enqueue_indirect_dma source(%dma_start3A_233 : memref<16000x8xf32, #tpu.memory_space<hbm>>) target(%arg8 : memref<6400x8xf32, #tpu.memory_space<vmem>>) offsets(%arg6 : memref<6400xi32, #tpu.memory_space<vmem>>) semaphore(%arg12 : memref<!tpu.dma_semaphore, #tpu.memory_space<semaphore_mem>>)
    %add3A_234 = arith.constant 51200 : i32
    %add3A_235 = arith.addi %mul3A_2, %add3A_234 : i32
    %dma_start3A_236 = arith.constant 0 : i32
    %dma_start3A_237 = tpu.memref_slice %arg4[%add3A_235, %dma_start3A_236] : memref<3276800x8xf32, #tpu.memory_space<hbm>> -> memref<6400x8xf32, #tpu.memory_space<hbm>>
    %dma_start3A_238 = arith.constant 0 : i32
    %dma_start3A_239 = tpu.memref_slice %arg4[%add3A_235, %dma_start3A_238] : memref<3276800x8xf32, #tpu.memory_space<hbm>> -> memref<6400x8xf32, #tpu.memory_space<hbm>>
    tpu.enqueue_dma source(%arg7 : memref<6400x8xf32, #tpu.memory_space<vmem>>) target(%dma_start3A_239 : memref<6400x8xf32, #tpu.memory_space<hbm>>) target_semaphore(%arg13 : memref<!tpu.dma_semaphore, #tpu.memory_space<semaphore_mem>>)
    %add3A_240 = arith.constant 64000 : i32
    %add3A_241 = arith.addi %mul3A_2, %add3A_240 : i32
    %dma_start3A_242 = tpu.memref_slice %arg2[%add3A_241] : memref<3276800xi32, #tpu.memory_space<hbm>> -> memref<6400xi32, #tpu.memory_space<hbm>>
    %dma_start3A_243 = tpu.memref_slice %arg2[%add3A_241] : memref<3276800xi32, #tpu.memory_space<hbm>> -> memref<6400xi32, #tpu.memory_space<hbm>>
    tpu.enqueue_dma source(%dma_start3A_243 : memref<6400xi32, #tpu.memory_space<hbm>>) target(%arg5 : memref<6400xi32, #tpu.memory_space<vmem>>) target_semaphore(%arg9 : memref<!tpu.dma_semaphore, #tpu.memory_space<semaphore_mem>>)
    %add3A_244 = arith.constant 64000 : i32
    %add3A_245 = arith.addi %mul3A_2, %add3A_244 : i32
    %dma_wait3A_246 = tpu.memref_slice %arg2[%add3A_245] : memref<3276800xi32, #tpu.memory_space<hbm>> -> memref<6400xi32, #tpu.memory_space<hbm>>
    %dma_wait3A_247 = tpu.memref_slice %arg2[%add3A_245] : memref<3276800xi32, #tpu.memory_space<hbm>> -> memref<6400xi32, #tpu.memory_space<hbm>>
    tpu.wait_dma2 semaphore(%arg9 : memref<!tpu.dma_semaphore, #tpu.memory_space<semaphore_mem>>) src(%dma_wait3A_247 : memref<6400xi32, #tpu.memory_space<hbm>>) dst(%arg5 : memref<6400xi32, #tpu.memory_space<vmem>>)
    %add3A_248 = arith.constant 51200 : i32
    %add3A_249 = arith.addi %mul3A_2, %add3A_248 : i32
    %dma_wait3A_250 = arith.constant 0 : i32
    %dma_wait3A_251 = tpu.memref_slice %arg4[%add3A_249, %dma_wait3A_250] : memref<3276800x8xf32, #tpu.memory_space<hbm>> -> memref<6400x8xf32, #tpu.memory_space<hbm>>
    %dma_wait3A_252 = arith.constant 0 : i32
    %dma_wait3A_253 = tpu.memref_slice %arg4[%add3A_249, %dma_wait3A_252] : memref<3276800x8xf32, #tpu.memory_space<hbm>> -> memref<6400x8xf32, #tpu.memory_space<hbm>>
    tpu.wait_dma2 semaphore(%arg13 : memref<!tpu.dma_semaphore, #tpu.memory_space<semaphore_mem>>) src(%arg7 : memref<6400x8xf32, #tpu.memory_space<vmem>>) dst(%dma_wait3A_253 : memref<6400x8xf32, #tpu.memory_space<hbm>>)
    %dma_wait3A_254 = arith.constant 0 : i32
    %dma_wait3A_255 = arith.constant 0 : i32
    %dma_wait3A_256 = tpu.memref_slice %arg3[%dma_wait3A_254, %dma_wait3A_255] : memref<16000x8xf32, #tpu.memory_space<hbm>> -> memref<16000x8xf32, #tpu.memory_space<hbm>>
    tpu.wait_indirect_dma semaphore(%arg12 : memref<!tpu.dma_semaphore, #tpu.memory_space<semaphore_mem>>) src(%dma_wait3A_256 : memref<16000x8xf32, #tpu.memory_space<hbm>>) dst(%arg8 : memref<6400x8xf32, #tpu.memory_space<vmem>>)
    %dma_start3A_257 = arith.constant 0 : i32
    %dma_start3A_258 = arith.constant 0 : i32
    %dma_start3A_259 = tpu.memref_slice %arg3[%dma_start3A_257, %dma_start3A_258] : memref<16000x8xf32, #tpu.memory_space<hbm>> -> memref<16000x8xf32, #tpu.memory_space<hbm>>
    tpu.enqueue_indirect_dma source(%dma_start3A_259 : memref<16000x8xf32, #tpu.memory_space<hbm>>) target(%arg7 : memref<6400x8xf32, #tpu.memory_space<vmem>>) offsets(%arg5 : memref<6400xi32, #tpu.memory_space<vmem>>) semaphore(%arg11 : memref<!tpu.dma_semaphore, #tpu.memory_space<semaphore_mem>>)
    %add3A_260 = arith.constant 57600 : i32
    %add3A_261 = arith.addi %mul3A_2, %add3A_260 : i32
    %dma_start3A_262 = arith.constant 0 : i32
    %dma_start3A_263 = tpu.memref_slice %arg4[%add3A_261, %dma_start3A_262] : memref<3276800x8xf32, #tpu.memory_space<hbm>> -> memref<6400x8xf32, #tpu.memory_space<hbm>>
    %dma_start3A_264 = arith.constant 0 : i32
    %dma_start3A_265 = tpu.memref_slice %arg4[%add3A_261, %dma_start3A_264] : memref<3276800x8xf32, #tpu.memory_space<hbm>> -> memref<6400x8xf32, #tpu.memory_space<hbm>>
    tpu.enqueue_dma source(%arg8 : memref<6400x8xf32, #tpu.memory_space<vmem>>) target(%dma_start3A_265 : memref<6400x8xf32, #tpu.memory_space<hbm>>) target_semaphore(%arg14 : memref<!tpu.dma_semaphore, #tpu.memory_space<semaphore_mem>>)
    %add3A_266 = arith.constant 70400 : i32
    %add3A_267 = arith.addi %mul3A_2, %add3A_266 : i32
    %dma_start3A_268 = tpu.memref_slice %arg2[%add3A_267] : memref<3276800xi32, #tpu.memory_space<hbm>> -> memref<6400xi32, #tpu.memory_space<hbm>>
    %dma_start3A_269 = tpu.memref_slice %arg2[%add3A_267] : memref<3276800xi32, #tpu.memory_space<hbm>> -> memref<6400xi32, #tpu.memory_space<hbm>>
    tpu.enqueue_dma source(%dma_start3A_269 : memref<6400xi32, #tpu.memory_space<hbm>>) target(%arg6 : memref<6400xi32, #tpu.memory_space<vmem>>) target_semaphore(%arg10 : memref<!tpu.dma_semaphore, #tpu.memory_space<semaphore_mem>>)
    %add3A_270 = arith.constant 70400 : i32
    %add3A_271 = arith.addi %mul3A_2, %add3A_270 : i32
    %dma_wait3A_272 = tpu.memref_slice %arg2[%add3A_271] : memref<3276800xi32, #tpu.memory_space<hbm>> -> memref<6400xi32, #tpu.memory_space<hbm>>
    %dma_wait3A_273 = tpu.memref_slice %arg2[%add3A_271] : memref<3276800xi32, #tpu.memory_space<hbm>> -> memref<6400xi32, #tpu.memory_space<hbm>>
    tpu.wait_dma2 semaphore(%arg10 : memref<!tpu.dma_semaphore, #tpu.memory_space<semaphore_mem>>) src(%dma_wait3A_273 : memref<6400xi32, #tpu.memory_space<hbm>>) dst(%arg6 : memref<6400xi32, #tpu.memory_space<vmem>>)
    %add3A_274 = arith.constant 57600 : i32
    %add3A_275 = arith.addi %mul3A_2, %add3A_274 : i32
    %dma_wait3A_276 = arith.constant 0 : i32
    %dma_wait3A_277 = tpu.memref_slice %arg4[%add3A_275, %dma_wait3A_276] : memref<3276800x8xf32, #tpu.memory_space<hbm>> -> memref<6400x8xf32, #tpu.memory_space<hbm>>
    %dma_wait3A_278 = arith.constant 0 : i32
    %dma_wait3A_279 = tpu.memref_slice %arg4[%add3A_275, %dma_wait3A_278] : memref<3276800x8xf32, #tpu.memory_space<hbm>> -> memref<6400x8xf32, #tpu.memory_space<hbm>>
    tpu.wait_dma2 semaphore(%arg14 : memref<!tpu.dma_semaphore, #tpu.memory_space<semaphore_mem>>) src(%arg8 : memref<6400x8xf32, #tpu.memory_space<vmem>>) dst(%dma_wait3A_279 : memref<6400x8xf32, #tpu.memory_space<hbm>>)
    %dma_wait3A_280 = arith.constant 0 : i32
    %dma_wait3A_281 = arith.constant 0 : i32
    %dma_wait3A_282 = tpu.memref_slice %arg3[%dma_wait3A_280, %dma_wait3A_281] : memref<16000x8xf32, #tpu.memory_space<hbm>> -> memref<16000x8xf32, #tpu.memory_space<hbm>>
    tpu.wait_indirect_dma semaphore(%arg11 : memref<!tpu.dma_semaphore, #tpu.memory_space<semaphore_mem>>) src(%dma_wait3A_282 : memref<16000x8xf32, #tpu.memory_space<hbm>>) dst(%arg7 : memref<6400x8xf32, #tpu.memory_space<vmem>>)
    %dma_start3A_283 = arith.constant 0 : i32
    %dma_start3A_284 = arith.constant 0 : i32
    %dma_start3A_285 = tpu.memref_slice %arg3[%dma_start3A_283, %dma_start3A_284] : memref<16000x8xf32, #tpu.memory_space<hbm>> -> memref<16000x8xf32, #tpu.memory_space<hbm>>
    tpu.enqueue_indirect_dma source(%dma_start3A_285 : memref<16000x8xf32, #tpu.memory_space<hbm>>) target(%arg8 : memref<6400x8xf32, #tpu.memory_space<vmem>>) offsets(%arg6 : memref<6400xi32, #tpu.memory_space<vmem>>) semaphore(%arg12 : memref<!tpu.dma_semaphore, #tpu.memory_space<semaphore_mem>>)
    %add3A_286 = arith.constant 64000 : i32
    %add3A_287 = arith.addi %mul3A_2, %add3A_286 : i32
    %dma_start3A_288 = arith.constant 0 : i32
    %dma_start3A_289 = tpu.memref_slice %arg4[%add3A_287, %dma_start3A_288] : memref<3276800x8xf32, #tpu.memory_space<hbm>> -> memref<6400x8xf32, #tpu.memory_space<hbm>>
    %dma_start3A_290 = arith.constant 0 : i32
    %dma_start3A_291 = tpu.memref_slice %arg4[%add3A_287, %dma_start3A_290] : memref<3276800x8xf32, #tpu.memory_space<hbm>> -> memref<6400x8xf32, #tpu.memory_space<hbm>>
    tpu.enqueue_dma source(%arg7 : memref<6400x8xf32, #tpu.memory_space<vmem>>) target(%dma_start3A_291 : memref<6400x8xf32, #tpu.memory_space<hbm>>) target_semaphore(%arg13 : memref<!tpu.dma_semaphore, #tpu.memory_space<semaphore_mem>>)
    %add3A_292 = arith.constant 76800 : i32
    %add3A_293 = arith.addi %mul3A_2, %add3A_292 : i32
    %dma_start3A_294 = tpu.memref_slice %arg2[%add3A_293] : memref<3276800xi32, #tpu.memory_space<hbm>> -> memref<6400xi32, #tpu.memory_space<hbm>>
    %dma_start3A_295 = tpu.memref_slice %arg2[%add3A_293] : memref<3276800xi32, #tpu.memory_space<hbm>> -> memref<6400xi32, #tpu.memory_space<hbm>>
    tpu.enqueue_dma source(%dma_start3A_295 : memref<6400xi32, #tpu.memory_space<hbm>>) target(%arg5 : memref<6400xi32, #tpu.memory_space<vmem>>) target_semaphore(%arg9 : memref<!tpu.dma_semaphore, #tpu.memory_space<semaphore_mem>>)
    %add3A_296 = arith.constant 76800 : i32
    %add3A_297 = arith.addi %mul3A_2, %add3A_296 : i32
    %dma_wait3A_298 = tpu.memref_slice %arg2[%add3A_297] : memref<3276800xi32, #tpu.memory_space<hbm>> -> memref<6400xi32, #tpu.memory_space<hbm>>
    %dma_wait3A_299 = tpu.memref_slice %arg2[%add3A_297] : memref<3276800xi32, #tpu.memory_space<hbm>> -> memref<6400xi32, #tpu.memory_space<hbm>>
    tpu.wait_dma2 semaphore(%arg9 : memref<!tpu.dma_semaphore, #tpu.memory_space<semaphore_mem>>) src(%dma_wait3A_299 : memref<6400xi32, #tpu.memory_space<hbm>>) dst(%arg5 : memref<6400xi32, #tpu.memory_space<vmem>>)
    %add3A_300 = arith.constant 64000 : i32
    %add3A_301 = arith.addi %mul3A_2, %add3A_300 : i32
    %dma_wait3A_302 = arith.constant 0 : i32
    %dma_wait3A_303 = tpu.memref_slice %arg4[%add3A_301, %dma_wait3A_302] : memref<3276800x8xf32, #tpu.memory_space<hbm>> -> memref<6400x8xf32, #tpu.memory_space<hbm>>
    %dma_wait3A_304 = arith.constant 0 : i32
    %dma_wait3A_305 = tpu.memref_slice %arg4[%add3A_301, %dma_wait3A_304] : memref<3276800x8xf32, #tpu.memory_space<hbm>> -> memref<6400x8xf32, #tpu.memory_space<hbm>>
    tpu.wait_dma2 semaphore(%arg13 : memref<!tpu.dma_semaphore, #tpu.memory_space<semaphore_mem>>) src(%arg7 : memref<6400x8xf32, #tpu.memory_space<vmem>>) dst(%dma_wait3A_305 : memref<6400x8xf32, #tpu.memory_space<hbm>>)
    %dma_wait3A_306 = arith.constant 0 : i32
    %dma_wait3A_307 = arith.constant 0 : i32
    %dma_wait3A_308 = tpu.memref_slice %arg3[%dma_wait3A_306, %dma_wait3A_307] : memref<16000x8xf32, #tpu.memory_space<hbm>> -> memref<16000x8xf32, #tpu.memory_space<hbm>>
    tpu.wait_indirect_dma semaphore(%arg12 : memref<!tpu.dma_semaphore, #tpu.memory_space<semaphore_mem>>) src(%dma_wait3A_308 : memref<16000x8xf32, #tpu.memory_space<hbm>>) dst(%arg8 : memref<6400x8xf32, #tpu.memory_space<vmem>>)
    %dma_start3A_309 = arith.constant 0 : i32
    %dma_start3A_310 = arith.constant 0 : i32
    %dma_start3A_311 = tpu.memref_slice %arg3[%dma_start3A_309, %dma_start3A_310] : memref<16000x8xf32, #tpu.memory_space<hbm>> -> memref<16000x8xf32, #tpu.memory_space<hbm>>
    tpu.enqueue_indirect_dma source(%dma_start3A_311 : memref<16000x8xf32, #tpu.memory_space<hbm>>) target(%arg7 : memref<6400x8xf32, #tpu.memory_space<vmem>>) offsets(%arg5 : memref<6400xi32, #tpu.memory_space<vmem>>) semaphore(%arg11 : memref<!tpu.dma_semaphore, #tpu.memory_space<semaphore_mem>>)
    %add3A_312 = arith.constant 70400 : i32
    %add3A_313 = arith.addi %mul3A_2, %add3A_312 : i32
    %dma_start3A_314 = arith.constant 0 : i32
    %dma_start3A_315 = tpu.memref_slice %arg4[%add3A_313, %dma_start3A_314] : memref<3276800x8xf32, #tpu.memory_space<hbm>> -> memref<6400x8xf32, #tpu.memory_space<hbm>>
    %dma_start3A_316 = arith.constant 0 : i32
    %dma_start3A_317 = tpu.memref_slice %arg4[%add3A_313, %dma_start3A_316] : memref<3276800x8xf32, #tpu.memory_space<hbm>> -> memref<6400x8xf32, #tpu.memory_space<hbm>>
    tpu.enqueue_dma source(%arg8 : memref<6400x8xf32, #tpu.memory_space<vmem>>) target(%dma_start3A_317 : memref<6400x8xf32, #tpu.memory_space<hbm>>) target_semaphore(%arg14 : memref<!tpu.dma_semaphore, #tpu.memory_space<semaphore_mem>>)
    %add3A_318 = arith.constant 83200 : i32
    %add3A_319 = arith.addi %mul3A_2, %add3A_318 : i32
    %dma_start3A_320 = tpu.memref_slice %arg2[%add3A_319] : memref<3276800xi32, #tpu.memory_space<hbm>> -> memref<6400xi32, #tpu.memory_space<hbm>>
    %dma_start3A_321 = tpu.memref_slice %arg2[%add3A_319] : memref<3276800xi32, #tpu.memory_space<hbm>> -> memref<6400xi32, #tpu.memory_space<hbm>>
    tpu.enqueue_dma source(%dma_start3A_321 : memref<6400xi32, #tpu.memory_space<hbm>>) target(%arg6 : memref<6400xi32, #tpu.memory_space<vmem>>) target_semaphore(%arg10 : memref<!tpu.dma_semaphore, #tpu.memory_space<semaphore_mem>>)
    %add3A_322 = arith.constant 83200 : i32
    %add3A_323 = arith.addi %mul3A_2, %add3A_322 : i32
    %dma_wait3A_324 = tpu.memref_slice %arg2[%add3A_323] : memref<3276800xi32, #tpu.memory_space<hbm>> -> memref<6400xi32, #tpu.memory_space<hbm>>
    %dma_wait3A_325 = tpu.memref_slice %arg2[%add3A_323] : memref<3276800xi32, #tpu.memory_space<hbm>> -> memref<6400xi32, #tpu.memory_space<hbm>>
    tpu.wait_dma2 semaphore(%arg10 : memref<!tpu.dma_semaphore, #tpu.memory_space<semaphore_mem>>) src(%dma_wait3A_325 : memref<6400xi32, #tpu.memory_space<hbm>>) dst(%arg6 : memref<6400xi32, #tpu.memory_space<vmem>>)
    %add3A_326 = arith.constant 70400 : i32
    %add3A_327 = arith.addi %mul3A_2, %add3A_326 : i32
    %dma_wait3A_328 = arith.constant 0 : i32
    %dma_wait3A_329 = tpu.memref_slice %arg4[%add3A_327, %dma_wait3A_328] : memref<3276800x8xf32, #tpu.memory_space<hbm>> -> memref<6400x8xf32, #tpu.memory_space<hbm>>
    %dma_wait3A_330 = arith.constant 0 : i32
    %dma_wait3A_331 = tpu.memref_slice %arg4[%add3A_327, %dma_wait3A_330] : memref<3276800x8xf32, #tpu.memory_space<hbm>> -> memref<6400x8xf32, #tpu.memory_space<hbm>>
    tpu.wait_dma2 semaphore(%arg14 : memref<!tpu.dma_semaphore, #tpu.memory_space<semaphore_mem>>) src(%arg8 : memref<6400x8xf32, #tpu.memory_space<vmem>>) dst(%dma_wait3A_331 : memref<6400x8xf32, #tpu.memory_space<hbm>>)
    %dma_wait3A_332 = arith.constant 0 : i32
    %dma_wait3A_333 = arith.constant 0 : i32
    %dma_wait3A_334 = tpu.memref_slice %arg3[%dma_wait3A_332, %dma_wait3A_333] : memref<16000x8xf32, #tpu.memory_space<hbm>> -> memref<16000x8xf32, #tpu.memory_space<hbm>>
    tpu.wait_indirect_dma semaphore(%arg11 : memref<!tpu.dma_semaphore, #tpu.memory_space<semaphore_mem>>) src(%dma_wait3A_334 : memref<16000x8xf32, #tpu.memory_space<hbm>>) dst(%arg7 : memref<6400x8xf32, #tpu.memory_space<vmem>>)
    %dma_start3A_335 = arith.constant 0 : i32
    %dma_start3A_336 = arith.constant 0 : i32
    %dma_start3A_337 = tpu.memref_slice %arg3[%dma_start3A_335, %dma_start3A_336] : memref<16000x8xf32, #tpu.memory_space<hbm>> -> memref<16000x8xf32, #tpu.memory_space<hbm>>
    tpu.enqueue_indirect_dma source(%dma_start3A_337 : memref<16000x8xf32, #tpu.memory_space<hbm>>) target(%arg8 : memref<6400x8xf32, #tpu.memory_space<vmem>>) offsets(%arg6 : memref<6400xi32, #tpu.memory_space<vmem>>) semaphore(%arg12 : memref<!tpu.dma_semaphore, #tpu.memory_space<semaphore_mem>>)
    %add3A_338 = arith.constant 76800 : i32
    %add3A_339 = arith.addi %mul3A_2, %add3A_338 : i32
    %dma_start3A_340 = arith.constant 0 : i32
    %dma_start3A_341 = tpu.memref_slice %arg4[%add3A_339, %dma_start3A_340] : memref<3276800x8xf32, #tpu.memory_space<hbm>> -> memref<6400x8xf32, #tpu.memory_space<hbm>>
    %dma_start3A_342 = arith.constant 0 : i32
    %dma_start3A_343 = tpu.memref_slice %arg4[%add3A_339, %dma_start3A_342] : memref<3276800x8xf32, #tpu.memory_space<hbm>> -> memref<6400x8xf32, #tpu.memory_space<hbm>>
    tpu.enqueue_dma source(%arg7 : memref<6400x8xf32, #tpu.memory_space<vmem>>) target(%dma_start3A_343 : memref<6400x8xf32, #tpu.memory_space<hbm>>) target_semaphore(%arg13 : memref<!tpu.dma_semaphore, #tpu.memory_space<semaphore_mem>>)
    %add3A_344 = arith.constant 89600 : i32
    %add3A_345 = arith.addi %mul3A_2, %add3A_344 : i32
    %dma_start3A_346 = tpu.memref_slice %arg2[%add3A_345] : memref<3276800xi32, #tpu.memory_space<hbm>> -> memref<6400xi32, #tpu.memory_space<hbm>>
    %dma_start3A_347 = tpu.memref_slice %arg2[%add3A_345] : memref<3276800xi32, #tpu.memory_space<hbm>> -> memref<6400xi32, #tpu.memory_space<hbm>>
    tpu.enqueue_dma source(%dma_start3A_347 : memref<6400xi32, #tpu.memory_space<hbm>>) target(%arg5 : memref<6400xi32, #tpu.memory_space<vmem>>) target_semaphore(%arg9 : memref<!tpu.dma_semaphore, #tpu.memory_space<semaphore_mem>>)
    %add3A_348 = arith.constant 89600 : i32
    %add3A_349 = arith.addi %mul3A_2, %add3A_348 : i32
    %dma_wait3A_350 = tpu.memref_slice %arg2[%add3A_349] : memref<3276800xi32, #tpu.memory_space<hbm>> -> memref<6400xi32, #tpu.memory_space<hbm>>
    %dma_wait3A_351 = tpu.memref_slice %arg2[%add3A_349] : memref<3276800xi32, #tpu.memory_space<hbm>> -> memref<6400xi32, #tpu.memory_space<hbm>>
    tpu.wait_dma2 semaphore(%arg9 : memref<!tpu.dma_semaphore, #tpu.memory_space<semaphore_mem>>) src(%dma_wait3A_351 : memref<6400xi32, #tpu.memory_space<hbm>>) dst(%arg5 : memref<6400xi32, #tpu.memory_space<vmem>>)
    %add3A_352 = arith.constant 76800 : i32
    %add3A_353 = arith.addi %mul3A_2, %add3A_352 : i32
    %dma_wait3A_354 = arith.constant 0 : i32
    %dma_wait3A_355 = tpu.memref_slice %arg4[%add3A_353, %dma_wait3A_354] : memref<3276800x8xf32, #tpu.memory_space<hbm>> -> memref<6400x8xf32, #tpu.memory_space<hbm>>
    %dma_wait3A_356 = arith.constant 0 : i32
    %dma_wait3A_357 = tpu.memref_slice %arg4[%add3A_353, %dma_wait3A_356] : memref<3276800x8xf32, #tpu.memory_space<hbm>> -> memref<6400x8xf32, #tpu.memory_space<hbm>>
    tpu.wait_dma2 semaphore(%arg13 : memref<!tpu.dma_semaphore, #tpu.memory_space<semaphore_mem>>) src(%arg7 : memref<6400x8xf32, #tpu.memory_space<vmem>>) dst(%dma_wait3A_357 : memref<6400x8xf32, #tpu.memory_space<hbm>>)
    %dma_wait3A_358 = arith.constant 0 : i32
    %dma_wait3A_359 = arith.constant 0 : i32
    %dma_wait3A_360 = tpu.memref_slice %arg3[%dma_wait3A_358, %dma_wait3A_359] : memref<16000x8xf32, #tpu.memory_space<hbm>> -> memref<16000x8xf32, #tpu.memory_space<hbm>>
    tpu.wait_indirect_dma semaphore(%arg12 : memref<!tpu.dma_semaphore, #tpu.memory_space<semaphore_mem>>) src(%dma_wait3A_360 : memref<16000x8xf32, #tpu.memory_space<hbm>>) dst(%arg8 : memref<6400x8xf32, #tpu.memory_space<vmem>>)
    %dma_start3A_361 = arith.constant 0 : i32
    %dma_start3A_362 = arith.constant 0 : i32
    %dma_start3A_363 = tpu.memref_slice %arg3[%dma_start3A_361, %dma_start3A_362] : memref<16000x8xf32, #tpu.memory_space<hbm>> -> memref<16000x8xf32, #tpu.memory_space<hbm>>
    tpu.enqueue_indirect_dma source(%dma_start3A_363 : memref<16000x8xf32, #tpu.memory_space<hbm>>) target(%arg7 : memref<6400x8xf32, #tpu.memory_space<vmem>>) offsets(%arg5 : memref<6400xi32, #tpu.memory_space<vmem>>) semaphore(%arg11 : memref<!tpu.dma_semaphore, #tpu.memory_space<semaphore_mem>>)
    %add3A_364 = arith.constant 83200 : i32
    %add3A_365 = arith.addi %mul3A_2, %add3A_364 : i32
    %dma_start3A_366 = arith.constant 0 : i32
    %dma_start3A_367 = tpu.memref_slice %arg4[%add3A_365, %dma_start3A_366] : memref<3276800x8xf32, #tpu.memory_space<hbm>> -> memref<6400x8xf32, #tpu.memory_space<hbm>>
    %dma_start3A_368 = arith.constant 0 : i32
    %dma_start3A_369 = tpu.memref_slice %arg4[%add3A_365, %dma_start3A_368] : memref<3276800x8xf32, #tpu.memory_space<hbm>> -> memref<6400x8xf32, #tpu.memory_space<hbm>>
    tpu.enqueue_dma source(%arg8 : memref<6400x8xf32, #tpu.memory_space<vmem>>) target(%dma_start3A_369 : memref<6400x8xf32, #tpu.memory_space<hbm>>) target_semaphore(%arg14 : memref<!tpu.dma_semaphore, #tpu.memory_space<semaphore_mem>>)
    %add3A_370 = arith.constant 96000 : i32
    %add3A_371 = arith.addi %mul3A_2, %add3A_370 : i32
    %dma_start3A_372 = tpu.memref_slice %arg2[%add3A_371] : memref<3276800xi32, #tpu.memory_space<hbm>> -> memref<6400xi32, #tpu.memory_space<hbm>>
    %dma_start3A_373 = tpu.memref_slice %arg2[%add3A_371] : memref<3276800xi32, #tpu.memory_space<hbm>> -> memref<6400xi32, #tpu.memory_space<hbm>>
    tpu.enqueue_dma source(%dma_start3A_373 : memref<6400xi32, #tpu.memory_space<hbm>>) target(%arg6 : memref<6400xi32, #tpu.memory_space<vmem>>) target_semaphore(%arg10 : memref<!tpu.dma_semaphore, #tpu.memory_space<semaphore_mem>>)
    %add3A_374 = arith.constant 96000 : i32
    %add3A_375 = arith.addi %mul3A_2, %add3A_374 : i32
    %dma_wait3A_376 = tpu.memref_slice %arg2[%add3A_375] : memref<3276800xi32, #tpu.memory_space<hbm>> -> memref<6400xi32, #tpu.memory_space<hbm>>
    %dma_wait3A_377 = tpu.memref_slice %arg2[%add3A_375] : memref<3276800xi32, #tpu.memory_space<hbm>> -> memref<6400xi32, #tpu.memory_space<hbm>>
    tpu.wait_dma2 semaphore(%arg10 : memref<!tpu.dma_semaphore, #tpu.memory_space<semaphore_mem>>) src(%dma_wait3A_377 : memref<6400xi32, #tpu.memory_space<hbm>>) dst(%arg6 : memref<6400xi32, #tpu.memory_space<vmem>>)
    %add3A_378 = arith.constant 83200 : i32
    %add3A_379 = arith.addi %mul3A_2, %add3A_378 : i32
    %dma_wait3A_380 = arith.constant 0 : i32
    %dma_wait3A_381 = tpu.memref_slice %arg4[%add3A_379, %dma_wait3A_380] : memref<3276800x8xf32, #tpu.memory_space<hbm>> -> memref<6400x8xf32, #tpu.memory_space<hbm>>
    %dma_wait3A_382 = arith.constant 0 : i32
    %dma_wait3A_383 = tpu.memref_slice %arg4[%add3A_379, %dma_wait3A_382] : memref<3276800x8xf32, #tpu.memory_space<hbm>> -> memref<6400x8xf32, #tpu.memory_space<hbm>>
    tpu.wait_dma2 semaphore(%arg14 : memref<!tpu.dma_semaphore, #tpu.memory_space<semaphore_mem>>) src(%arg8 : memref<6400x8xf32, #tpu.memory_space<vmem>>) dst(%dma_wait3A_383 : memref<6400x8xf32, #tpu.memory_space<hbm>>)
    %dma_wait3A_384 = arith.constant 0 : i32
    %dma_wait3A_385 = arith.constant 0 : i32
    %dma_wait3A_386 = tpu.memref_slice %arg3[%dma_wait3A_384, %dma_wait3A_385] : memref<16000x8xf32, #tpu.memory_space<hbm>> -> memref<16000x8xf32, #tpu.memory_space<hbm>>
    tpu.wait_indirect_dma semaphore(%arg11 : memref<!tpu.dma_semaphore, #tpu.memory_space<semaphore_mem>>) src(%dma_wait3A_386 : memref<16000x8xf32, #tpu.memory_space<hbm>>) dst(%arg7 : memref<6400x8xf32, #tpu.memory_space<vmem>>)
    %dma_start3A_387 = arith.constant 0 : i32
    %dma_start3A_388 = arith.constant 0 : i32
    %dma_start3A_389 = tpu.memref_slice %arg3[%dma_start3A_387, %dma_start3A_388] : memref<16000x8xf32, #tpu.memory_space<hbm>> -> memref<16000x8xf32, #tpu.memory_space<hbm>>
    tpu.enqueue_indirect_dma source(%dma_start3A_389 : memref<16000x8xf32, #tpu.memory_space<hbm>>) target(%arg8 : memref<6400x8xf32, #tpu.memory_space<vmem>>) offsets(%arg6 : memref<6400xi32, #tpu.memory_space<vmem>>) semaphore(%arg12 : memref<!tpu.dma_semaphore, #tpu.memory_space<semaphore_mem>>)
    %add3A_390 = arith.constant 89600 : i32
    %add3A_391 = arith.addi %mul3A_2, %add3A_390 : i32
    %dma_start3A_392 = arith.constant 0 : i32
    %dma_start3A_393 = tpu.memref_slice %arg4[%add3A_391, %dma_start3A_392] : memref<3276800x8xf32, #tpu.memory_space<hbm>> -> memref<6400x8xf32, #tpu.memory_space<hbm>>
    %dma_start3A_394 = arith.constant 0 : i32
    %dma_start3A_395 = tpu.memref_slice %arg4[%add3A_391, %dma_start3A_394] : memref<3276800x8xf32, #tpu.memory_space<hbm>> -> memref<6400x8xf32, #tpu.memory_space<hbm>>
    tpu.enqueue_dma source(%arg7 : memref<6400x8xf32, #tpu.memory_space<vmem>>) target(%dma_start3A_395 : memref<6400x8xf32, #tpu.memory_space<hbm>>) target_semaphore(%arg13 : memref<!tpu.dma_semaphore, #tpu.memory_space<semaphore_mem>>)
    %dma_wait3A_396 = arith.constant 0 : i32
    %dma_wait3A_397 = arith.constant 0 : i32
    %dma_wait3A_398 = tpu.memref_slice %arg3[%dma_wait3A_396, %dma_wait3A_397] : memref<16000x8xf32, #tpu.memory_space<hbm>> -> memref<16000x8xf32, #tpu.memory_space<hbm>>
    tpu.wait_indirect_dma semaphore(%arg12 : memref<!tpu.dma_semaphore, #tpu.memory_space<semaphore_mem>>) src(%dma_wait3A_398 : memref<16000x8xf32, #tpu.memory_space<hbm>>) dst(%arg8 : memref<6400x8xf32, #tpu.memory_space<vmem>>)
    %add3A_399 = arith.constant 96000 : i32
    %add3A_400 = arith.addi %mul3A_2, %add3A_399 : i32
    %dma_start3A_401 = arith.constant 0 : i32
    %dma_start3A_402 = tpu.memref_slice %arg4[%add3A_400, %dma_start3A_401] : memref<3276800x8xf32, #tpu.memory_space<hbm>> -> memref<6400x8xf32, #tpu.memory_space<hbm>>
    %dma_start3A_403 = arith.constant 0 : i32
    %dma_start3A_404 = tpu.memref_slice %arg4[%add3A_400, %dma_start3A_403] : memref<3276800x8xf32, #tpu.memory_space<hbm>> -> memref<6400x8xf32, #tpu.memory_space<hbm>>
    tpu.enqueue_dma source(%arg8 : memref<6400x8xf32, #tpu.memory_space<vmem>>) target(%dma_start3A_404 : memref<6400x8xf32, #tpu.memory_space<hbm>>) target_semaphore(%arg14 : memref<!tpu.dma_semaphore, #tpu.memory_space<semaphore_mem>>)
    %add3A_405 = arith.constant 89600 : i32
    %add3A_406 = arith.addi %mul3A_2, %add3A_405 : i32
    %dma_wait3A_407 = arith.constant 0 : i32
    %dma_wait3A_408 = tpu.memref_slice %arg4[%add3A_406, %dma_wait3A_407] : memref<3276800x8xf32, #tpu.memory_space<hbm>> -> memref<6400x8xf32, #tpu.memory_space<hbm>>
    %dma_wait3A_409 = arith.constant 0 : i32
    %dma_wait3A_410 = tpu.memref_slice %arg4[%add3A_406, %dma_wait3A_409] : memref<3276800x8xf32, #tpu.memory_space<hbm>> -> memref<6400x8xf32, #tpu.memory_space<hbm>>
    tpu.wait_dma2 semaphore(%arg13 : memref<!tpu.dma_semaphore, #tpu.memory_space<semaphore_mem>>) src(%arg7 : memref<6400x8xf32, #tpu.memory_space<vmem>>) dst(%dma_wait3A_410 : memref<6400x8xf32, #tpu.memory_space<hbm>>)
    %add3A_411 = arith.constant 96000 : i32
    %add3A_412 = arith.addi %mul3A_2, %add3A_411 : i32
    %dma_wait3A_413 = arith.constant 0 : i32
    %dma_wait3A_414 = tpu.memref_slice %arg4[%add3A_412, %dma_wait3A_413] : memref<3276800x8xf32, #tpu.memory_space<hbm>> -> memref<6400x8xf32, #tpu.memory_space<hbm>>
    %dma_wait3A_415 = arith.constant 0 : i32
    %dma_wait3A_416 = tpu.memref_slice %arg4[%add3A_412, %dma_wait3A_415] : memref<3276800x8xf32, #tpu.memory_space<hbm>> -> memref<6400x8xf32, #tpu.memory_space<hbm>>
    tpu.wait_dma2 semaphore(%arg14 : memref<!tpu.dma_semaphore, #tpu.memory_space<semaphore_mem>>) src(%arg8 : memref<6400x8xf32, #tpu.memory_space<vmem>>) dst(%dma_wait3A_416 : memref<6400x8xf32, #tpu.memory_space<hbm>>)
    return
  }
}

</mosaic_0001>

<sc_bundles>
// kernel: kernel.3.cloned.1.call-start
scs
__scs_entry_jumppad:
0x0: {  	(pc) =	sbr.rel $0x88, $3  }
0x1: {  	(tag) =	ssettag $0x0;
	lr =	simm.s32 $0x1  }
0x2: {  	[smem:$0x3F9F] =	sst lr;
	_ =	strace $0xD0000000  }
0x3: {  	_ = 	snop  }
0x4: {  	_ = 	snop  }
0x5: {  	_ = 	snop  }
0x6: {  	_ = 	snop  }
0x7: {  	_ = 	snop  }
__scs_overlays_trampoline_lowered:
0x8: {  	[smem:$0x3FAE] =	sst s0  }
0x9: {  	[smem:$0x3FAF] =	sst s1  }
0xa: {  	[smem:$0x3FB0] =	sst s2  }
0xb: {  	[smem:$0x3FB1] =	sst s3  }
0xc: {  	[smem:$0x3FB2] =	sst s4  }
0xd: {  	[smem:$0x3FB3] =	sst s5  }
0xe: {  	[smem:$0x3FB4] =	sst s6  }
0xf: {  	[smem:$0x3FB5] =	sst s7  }
0x10: {  	[smem:$0x3FB6] =	sst s8  }
0x11: {  	[smem:$0x3FB7] =	sst s9;
	s0 =	simm.s32 @!p0 $0x0  }
0x12: {  	s1 =	sld [smem:$0x3F9D];
	s0 =	simm.s32 @p0 $0x1  }
0x13: {  	[smem:$0x3FB8] =	sst s0;
	s0 =	simm.s32 @!p1 $0x0  }
0x14: {  	s2 =	sld [smem:$0x3F9C];
	s0 =	simm.s32 @p1 $0x1  }
0x15: {  	[smem:$0x3FB9] =	sst s0;
	s0 =	simm.s32 @!p2 $0x0  }
0x16: {  	s3 =	sld [smem:$0x3FDB];
	s0 =	simm.s32 @p2 $0x1  }
0x17: {  	s4 =	simm.s32 $0x1BF5;
	[smem:$0x3FBB] =	sst s0  }
0x18: {  	s0 =	sld [smem:$0x3F9E];
	_ =	swait.ge [sflag:s4], $0x0  }
0x19: {  	s7 =	sld [smem:$0x3F9F]  }
0x1a: {  	s8 =	sadd.s32 $0xFFFFE003, lr  }
0x1b: {  	s9 =	sadd.s32 $0xFFFFFEF7, lr;
	s5 =	simm.s32 $0xFFFFFFFF;
	p2 =	slt.u32 s8, $0xFFFFF086  }
0x1c: {  	p1 =	slt.u32 s9, $0xF7A;
	s5 =	simm.s32 @!p2 $0x0  }
0x1d: {  	s5 =	simm.s32 @p1 $0x1;
	p0 =	seq.s32 s7, s2  }
0x1e: {  	s7 =	smul.u32 @!p0 $0xF7A, s2;
	p2 =	seq.s32 @!p0 s5, $0x0  }
0x1f: {  	s9 =	smul.u32 $0xF7A, s1;
	s8 =	simm.s32 @!p0 $0x1BF5;
	p2 =	por !p2, p0  }
0x20: {  	[sflag:s8] =	ssyncset.s32 @!p0 $0xFFFFF086;
	s6 =	sadd.s32 @!p0 s3, s7;
	s7 =	simm.s32 @!p0 $0x108  }
0x21: {  	s3 =	sadd.s32 s3, s9;
	s6 =	sadd.s32 @!p0 $0x88, s6;
	s7 =	simm.s32 @p2 $0x1082  }
0x22: {  	[simem:s7], [sflag:s8] =	dma.local @!p0 [hbm:s6], $0xF7A  }
0x23: {  	s9 =	sor.u32 $0xD0000000, s2;
	s6 =	simm.s32 $0x108;
	_ =	swait.ge @!p0 [sflag:s8], $0x0  }
0x24: {  	s3 =	sadd.s32 $0x88, s3;
	s6 =	simm.s32 @!p1 $0x1082;
	[sflag:s4] =	ssyncset.s32 $0xFFFFF086  }
0x25: {  	[simem:s6], [sflag:s4] =	dma.local [hbm:s3], $0xF7A  }
0x26: {  	[smem:$0x3F9F] =	sst s1;
	(tag) =	ssettag s2;
	_ =	strace s9  }
0x27: {  	s1 =	sld [smem:$0x3FAF]  }
0x28: {  	s2 =	sld [smem:$0x3FB0]  }
0x29: {  	s4 =	sld [smem:$0x3FB2]  }
0x2a: {  	p0 =	seq.s32 s5, $0x0;
	s5 =	sld [smem:$0x3FB3]  }
0x2b: {  	s6 =	sld [smem:$0x3FB4]  }
0x2c: {  	s7 =	sld [smem:$0x3FB5]  }
0x2d: {  	s3 =	simm.s32 $0x108;
	s8 =	sld [smem:$0x3FB6]  }
0x2e: {  	s3 =	simm.s32 @!p0 $0x1082;
	s9 =	sld [smem:$0x3FB7]  }
0x2f: {  	lr =	sadd.s32 s0, s3;
	s0 =	sld [smem:$0x3FAE]  }
0x30: {  	s3 =	sld [smem:$0x3FB1]  }
0x31: {  	[smem:$0x3FBA] =	sst s10  }
0x32: {  	s10 =	sld [smem:$0x3FB8];
	_ =	sdelay $0x3  }
0x33: {  	p0 =	seq.s32 s10, $0x1;
	s10 =	sld [smem:$0x3FBA];
	_ =	sdelay $0x3  }
0x34: {  	[smem:$0x3FBA] =	sst s10  }
0x35: {  	s10 =	sld [smem:$0x3FB9];
	_ =	sdelay $0x3  }
0x36: {  	p1 =	seq.s32 s10, $0x1;
	s10 =	sld [smem:$0x3FBA];
	_ =	sdelay $0x3  }
0x37: {  	[smem:$0x3FBA] =	sst s10  }
0x38: {  	s10 =	sld [smem:$0x3FBB]  }
0x39: {  	_ = 	snop;
	(pc) =	sbr.ind lr, $3  }
0x3a: {  	_ = 	snop  }
0x3b: {  	_ = 	snop  }
0x3c: {  	p2 =	seq.s32 s10, $0x1;
	s10 =	sld [smem:$0x3FBA]  }
0x3d: {  	_ =	shalt  }
0x3e: {  	_ =	shalt  }
0x3f: {  	_ =	shalt  }
0x40: {  	_ =	shalt  }
0x41: {  	_ =	shalt  }
0x42: {  	_ =	shalt  }
0x43: {  	_ =	shalt  }
0x44: {  	_ =	shalt  }
0x45: {  	_ =	shalt  }
0x46: {  	_ =	shalt  }
0x47: {  	_ =	shalt  }
0x48: {  	_ =	shalt  }
0x49: {  	_ =	shalt  }
0x4a: {  	_ =	shalt  }
0x4b: {  	_ =	shalt  }
0x4c: {  	_ =	shalt  }
0x4d: {  	_ =	shalt  }
0x4e: {  	_ =	shalt  }
0x4f: {  	_ =	shalt  }
0x50: {  	_ =	shalt  }
0x51: {  	_ =	shalt  }
0x52: {  	_ =	shalt  }
0x53: {  	_ =	shalt  }
0x54: {  	_ =	shalt  }
0x55: {  	_ =	shalt  }
0x56: {  	_ =	shalt  }
0x57: {  	_ =	shalt  }
0x58: {  	_ =	shalt  }
0x59: {  	_ =	shalt  }
0x5a: {  	_ =	shalt  }
0x5b: {  	_ =	shalt  }
0x5c: {  	_ =	shalt  }
0x5d: {  	_ =	shalt  }
0x5e: {  	_ =	shalt  }
0x5f: {  	_ =	shalt  }
0x60: {  	_ =	shalt  }
0x61: {  	_ =	shalt  }
0x62: {  	_ =	shalt  }
0x63: {  	_ =	shalt  }
0x64: {  	_ =	shalt  }
0x65: {  	_ =	shalt  }
0x66: {  	_ =	shalt  }
0x67: {  	_ =	shalt  }
0x68: {  	_ =	shalt  }
0x69: {  	_ =	shalt  }
0x6a: {  	_ =	shalt  }
0x6b: {  	_ =	shalt  }
0x6c: {  	_ =	shalt  }
0x6d: {  	_ =	shalt  }
0x6e: {  	_ =	shalt  }
0x6f: {  	_ =	shalt  }
0x70: {  	_ =	shalt  }
0x71: {  	_ =	shalt  }
0x72: {  	_ =	shalt  }
0x73: {  	_ =	shalt  }
0x74: {  	_ =	shalt  }
0x75: {  	_ =	shalt  }
0x76: {  	_ =	shalt  }
0x77: {  	_ =	shalt  }
0x78: {  	_ =	shalt  }
0x79: {  	_ =	shalt  }
0x7a: {  	_ =	shalt  }
0x7b: {  	_ =	shalt  }
0x7c: {  	_ =	shalt  }
0x7d: {  	_ =	shalt  }
0x7e: {  	_ =	shalt  }
0x7f: {  	_ =	shalt  }
0x80: {  	_ =	shalt  }
0x81: {  	_ =	shalt  }
0x82: {  	_ =	shalt  }
0x83: {  	_ =	shalt  }
0x84: {  	_ =	shalt  }
0x85: {  	_ =	shalt  }
0x86: {  	_ =	shalt  }
0x87: {  	_ =	shalt  }
.Lfunc_end0:
.L_simem_size_0:
called_computation.1_lowered:
.L_overlay_start_0:
0x88: {  	s2 =	sld [smem:$0x3FD9]  }
0x89: {  	s3 =	sld [smem:$0x3FFE];
	_ =	sdelay $0x1  }
0x8a: {  	s1 =	srdreg.scid  }
0x8b: {  	s0 =	sand.u32 $0x1, s1  }
0x8c: {  	s17 =	sshll.u32 s0, $0xA;
	s2 =	sadd.s32 s3, s2  }
0x8d: {  	s2 =	sadd.s32 s2, s17  }
0x8e: {  	[smem:$0x3FC6] =	sst s2  }
0x8f: {  	_ = 	snop  }
0x90: {  	s2 =	sld [smem:$0x3FD0];
	(tm) =	ssettm $0x1  }
0x91: {  	s18 =	sld [smem:$0x3FFB];
	_ =	sdelay $0x3  }
0x92: {  	_ =	strace s18  }
0x93: {  	s3 =	sld [smem:$0x3FFC];
	_ =	sdelay $0x3  }
0x94: {  	_ =	strace s3  }
0x95: {  	s3 =	sld [smem:$0x3FFD];
	_ =	sdelay $0x3  }
0x96: {  	_ =	strace s3  }
0x97: {  	_ =	strace $0x8FFFFFFF  }
0x98: {  	s19 =	sld [smem:$0x3FDB];
	_ =	sdelay $0x1  }
0x99: {  	s4 =	simm.s32 $_scs_section_size  }
0x9a: {  	s5 =	simm.s32 $_size__tile_overlayer_lowered;
	s6 =	simm.s32 $_tile_overlayer_lowered  }
0x9b: {  	s22 =	simm.s32 $0x1BFF;
	s21 =	sshll.u32 s6, $0x1;
	s3 =	sadd.s32 s4, s19  }
0x9c: {  	s7 =	simm.s32 $0x0;
	s20 =	sshll.u32 s5, $0x1;
	s5 =	sadd.s32 s21, s3  }
0x9d: {  	[timem:s7], [sflag:s22] =	dma.local [hbm:s5], s20  }
0x9e: {  	_ =	swait.ge [sflag:s22], s20  }
0x9f: {  	s4 =	ssub.s32 $0x0, s20;
	[sflag:s22] =	ssyncset.done $0x0  }
0xa0: {  	[sflag:s22] =	ssyncadd.s32 s4;
	_ =	sdelay $0x1  }
0xa1: {  	s23 =	simm.s32 $0x1B8B  }
0xa2: {  	_ =	swait.ge [sflag:s23], $0x1  }
0xa3: {  	[sflag:s23] =	ssyncset.done $0x0  }
0xa4: {  	s25 =	simm.s32 $0x1B8E;
	s24 =	sld [smem:$0x3FFE];
	[sflag:s23] =	ssyncadd.s32 $0xFFFFFFFF  }
0xa5: {  	s26 =	simm.s32 $execute0_lowered;
	[smem:$0x3FD2] =	sst s25  }
0xa6: {  	s5 =	sshll.u32 s26, $0x1;
	_ =	strace $0x80000046;
	[dreg:$0x1] =	wrdreg $0xFFFFFFFF  }
0xa7: {  	s28 =	simm.s32 $_size_execute0_lowered;
	s3 =	sadd.s32 s3, s5;
	[dreg:$0x0] =	wrdreg $0x0  }
0xa8: {  	s5 =	sshll.u32 s28, $0x1;
	[dreg:$0x2] =	wrdreg s3  }
0xa9: {  	[dreg:$0x3] =	wrdreg s5  }
0xaa: {  	[dreg:$0x4] =	wrdreg $0xC0  }
0xab: {  	_ =	task [dreg:s7], $0x5FFFF  }
0xac: {  	[dreg:$0x1] =	wrdreg $0xFFFFFFFF  }
0xad: {  	[dreg:$0x0] =	wrdreg $0x60  }
0xae: {  	[dreg:$0x2] =	wrdreg s24  }
0xaf: {  	[dreg:$0x3] =	wrdreg s2  }
0xb0: {  	[dreg:$0x4] =	wrdreg $0x9  }
0xb1: {  	_ =	task.clear_ibuf [dreg:s7], $0x5FFFF;
	_ =	strace $0x90000046  }
0xb2: {  	s29 =	simm.s32 $0x9;
	_ =	strace $0x80000048  }
0xb3: {  	_ =	swait.ge [sflag:s29], $0x1  }
0xb4: {  	[sflag:s29] =	ssyncadd.s32 $0xFFFFFFFF  }
0xb5: {  	_ =	strace $0x90000048  }
0xb6: {  	_ =	sfence  }
0xb7: {  	s30 =	sld [smem:$0x0];
	_ =	sdelay $0x2  }
0xb8: {  	s31 =	sshll.u32 s1, $0xD;
	s1 =	sshrl.u32 s1, $0x2  }
0xb9: {  	s3 =	sand.u32 $0x4000, s31;
	s1 =	sadd.s32 s1, s30  }
0xba: {  	s0 =	sor.u32 s3, s0;
	s1 =	sshll.u32 s1, $0x11  }
0xbb: {  	s0 =	sor.u32 s1, s0  }
0xbc: {  	s0 =	sadd.s32 $0x8F2B, s0  }
0xbd: {  	[sflag:s0] =	ssyncadd.remote.s32 $0x1  }
0xbe: {  	_ =	sfence.sel $0xFFFF  }
0xbf: {  	[dreg:$0x0] =	wrdreg $0xFFFFFFFF;
	(pc) =	sbr.abs _section_cstart, $3  }
0xc0: {  	[dreg:$0x1] =	wrdreg $0xFFFFFFFF  }
0xc1: {  	_ =	task.clear_ibuf [dreg:s7], $0x2FFFF;
	_ =	strace $0x9FFFFFFF  }
0xc2: {  	(tm) =	ssettm $0x7FFFFFFF  }
0xc3: {  	_ =	shalt  }
tec
execute0_lowered:
.L_overlay_start_1:
0x0: {  	(tag) =	ssettag $0x1  }
0x1: {  	s1 =	rddreg [dreg:$0x0]  }
0x2: {  	s0 =	rddreg [dreg:$0x1]  }
0x3: {  	s3 =	srdreg.scid;
	s4 =	stileid.u32  }
0x4: {  	s2 =	simm.s32 $0x0;
	s6 =	sand.u32 $0x1, s3;
	s15 =	sshll.u32 s4, $0x1  }
0x5: {  	s31 =	simm.s32 $0x1900;
	p0 =	por $0x0, $0x0;
	s3 =	sor.u32 s6, s15  }
0x6: {  	[smem:$0x7FF] =	sst s2;
	s16 =	ssub.s32 $0x2, s6;
	s5 =	smul.u32 $0x19000, s3  }
0x7: {  	s11 =	sadd.s32 $0x4800, s1;
	_ =	strace $0x80000047;
	s6 =	sshrl.u32 s16, $0x1  }
0x8: {  	s3 =	sadd.s32 $0x800, s1;
	s6 =	ssub.s32 s16, s6;
	s7 =	sshrl.u32 s5, $0x3  }
0x9: {  	s8 =	sadd.s32 $0x1900, s5;
	s20 =	sadd.s32 $0x3200, s5;
	s21 =	sadd.s32 s0, s5  }
0xa: {  	s23 =	sadd.s32 $0x4B00, s5;
	s4 =	sadd.s32 $0x6400, s5;
	s14 =	sadd.s32 $0x7D00, s5  }
0xb: {  	s17 =	sadd.s32 s11, s7;
	s18 =	sshrl.u32 s8, $0x3;
	[dreg:$0x5] =	wrdreg s21  }
0xc: {  	s9 =	sshrl.u32 s20, $0x3;
	s24 =	sadd.s32 s0, s8;
	[dreg:$0x3] =	wrdreg s17  }
0xd: {  	s25 =	sshrl.u32 s23, $0x3;
	s10 =	sadd.s32 s0, s20;
	[dreg:$0x7] =	wrdreg s24  }
0xe: {  	s12 =	sshrl.u32 s4, $0x3;
	s15 =	sadd.s32 s0, s23;
	[dreg:$0x9] =	wrdreg s10  }
0xf: {  	s16 =	sshrl.u32 s14, $0x3;
	s23 =	sadd.s32 s0, s14;
	[dreg:$0xb] =	wrdreg s15  }
0x10: {  	s14 =	sadd.s32 $0x11300, s5;
	s19 =	sadd.s32 s11, s18;
	[dreg:$0xf] =	wrdreg s23  }
0x11: {  	s7 =	simm.s32 $0x6;
	s22 =	sadd.s32 s11, s9;
	[dreg:$0x4] =	wrdreg s19  }
0x12: {  	s26 =	sadd.s32 s11, s25;
	s13 =	sadd.s32 s11, s12;
	[dreg:$0x6] =	wrdreg s22  }
0x13: {  	s17 =	sadd.s32 s11, s16;
	s18 =	sadd.s32 $0x9600, s5;
	[dreg:$0x8] =	wrdreg s26  }
0x14: {  	s10 =	sadd.s32 $0xE100, s5;
	s12 =	sadd.s32 $0xFA00, s5;
	[dreg:$0xa] =	wrdreg s13  }
0x15: {  	s15 =	sshrl.u32 s14, $0x3;
	s16 =	sadd.s32 $0x12C00, s5;
	[dreg:$0xc] =	wrdreg s17  }
0x16: {  	s19 =	sadd.s32 s0, s4;
	s20 =	sshrl.u32 s18, $0x3;
	s22 =	sadd.s32 $0xAF00, s5  }
0x17: {  	s26 =	sadd.s32 $0xC800, s5;
	s30 =	sadd.s32 s0, s18;
	s9 =	sshrl.u32 s10, $0x3  }
0x18: {  	s13 =	sshrl.u32 s12, $0x3;
	s23 =	sadd.s32 s0, s10;
	s17 =	sshrl.u32 s16, $0x3  }
0x19: {  	s18 =	sadd.s32 $0x14500, s5;
	s10 =	sadd.s32 $0x15E00, s5;
	s1 =	rddreg [dreg:$0x3]  }
0x1a: {  	[dreg:$0xd] =	wrdreg s19;
	s21 =	sadd.s32 s11, s20;
	s24 =	sshrl.u32 s22, $0x3  }
0x1b: {  	s4 =	sshrl.u32 s26, $0x3;
	s28 =	sadd.s32 s0, s22;
	s29 =	sadd.s32 s11, s9  }
0x1c: {  	s20 =	sadd.s32 s0, s12;
	s22 =	sadd.s32 s11, s17;
	s8 =	sshrl.u32 s18, $0x3  }
0x1d: {  	s17 =	sadd.s32 s0, s16;
	s12 =	sadd.s32 s0, s18;
	s18 =	simm.s32 $0x1  }
0x1e: {  	s9 =	simm.s32 $0x5;
	[dreg:$0xe] =	wrdreg s21;
	s25 =	sadd.s32 s11, s24  }
0x1f: {  	s4 =	sadd.s32 s11, s4;
	s24 =	sadd.s32 s11, s15;
	s21 =	sadd.s32 s0, s14  }
0x20: {  	s14 =	sadd.s32 $0x17700, s5;
	s15 =	smax.u32 s6, $0x1;
	[dreg:$0x10] =	wrdreg s25  }
0x21: {  	s25 =	sadd.s32 s0, s26;
	s26 =	sadd.s32 s11, s13;
	p1 =	sne.s32 s15, $0x1  }
.Ltmp0:
0x22: {  	[dreg:$0x12] =	wrdreg s21;
	s21 =	sadd.s32 s11, s8;
	(pc) =	sbr.rel @!p1 .LBB2_3-.Ltmp0, $4  }
0x23: {  	s13 =	sshrl.u32 s10, $0x3;
	s5 =	sshrl.u32 s14, $0x3;
	s8 =	simm.s32 $0x3200  }
0x24: {  	s6 =	sadd.s32 $0xFFFFFFFF, s15;
	s15 =	simm.s32 $0x2;
	s19 =	sadd.s32 s11, s13  }
0x25: {  	s16 =	sadd.s32 s11, s5;
	s11 =	sadd.s32 s0, s10;
	s5 =	sadd.s32 s0, s14  }
0x26: {  	s14 =	simm.s32 $0x3;
	s10 =	simm.s32 $0xFA00;
	s13 =	simm.s32 $0x4  }
0x27: {  	[tilespmem:s2], [sflag:$0x1] =	stream.linear.gather [hbm4b:s1+s2], $0x1900, $0x38;
	[tilespmem:$0x1C200] =	vst v63  }
0x28: {  	s0 =	rddreg [dreg:$0x4]  }
0x29: {  	[tilespmem:s31], [sflag:$0x2] =	stream.linear.gather [hbm4b:s0+s2], $0x1900, $0x38;
	[tilespmem:$0x1C200] =	vst v63  }
0x2a: {  	_ =	swait.ge [sflag:s18], $0x1900  }
0x2b: {  	[sflag:s18] =	ssyncset.done $0x0  }
0x2c: {  	[sflag:s18] =	ssyncadd.s32 $0xFFFFE700  }
0x2d: {  	[tilespmem:s8], [sflag:$0x3] =	stream.indirect.gather [hbm4b:s3+s31], $0x8, s2, s31, $0xb8;
	[tilespmem:$0x1C200] =	vst v63  }
0x2e: {  	_ =	swait.ge [sflag:s15], $0x1900  }
0x2f: {  	[sflag:s15] =	ssyncset.done $0x0  }
0x30: {  	[sflag:s15] =	ssyncadd.s32 $0xFFFFE700  }
0x31: {  	_ =	swait.ge [sflag:s14], $0xC800  }
0x32: {  	[sflag:s14] =	ssyncset.done $0x0  }
0x33: {  	[sflag:s14] =	ssyncadd.s32 $0xFFFF3800  }
0x34: {  	[tilespmem:s10], [sflag:$0x4] =	stream.indirect.gather [hbm4b:s3+s31], $0x8, s31, s31, $0xb8;
	[tilespmem:$0x1C200] =	vst v63  }
0x35: {  	s0 =	rddreg [dreg:$0x5]  }
0x36: {  	[hbm4b:s0+s2] =	stream.linear.scatter [tilespmem:s8], [sflag:$0x5], $0xC800, $0x38;
	[tilespmem:$0x1C200] =	vst v63  }
0x37: {  	s1 =	rddreg [dreg:$0x6]  }
0x38: {  	[tilespmem:s2], [sflag:$0x1] =	stream.linear.gather [hbm4b:s1+s2], $0x1900, $0x38;
	[tilespmem:$0x1C200] =	vst v63  }
0x39: {  	_ =	swait.ge [sflag:s18], $0x1900  }
0x3a: {  	[sflag:s18] =	ssyncset.done $0x0  }
0x3b: {  	[sflag:s18] =	ssyncadd.s32 $0xFFFFE700  }
0x3c: {  	_ =	swait.ge [sflag:s9], $0xC800  }
0x3d: {  	[sflag:s9] =	ssyncset.done $0x0  }
0x3e: {  	[sflag:s9] =	ssyncadd.s32 $0xFFFF3800  }
0x3f: {  	_ =	swait.ge [sflag:s13], $0xC800  }
0x40: {  	[sflag:s13] =	ssyncset.done $0x0  }
0x41: {  	[sflag:s13] =	ssyncadd.s32 $0xFFFF3800  }
0x42: {  	[tilespmem:s8], [sflag:$0x3] =	stream.indirect.gather [hbm4b:s3+s31], $0x8, s2, s31, $0xb8;
	[tilespmem:$0x1C200] =	vst v63  }
0x43: {  	s0 =	rddreg [dreg:$0x7]  }
0x44: {  	[hbm4b:s0+s2] =	stream.linear.scatter [tilespmem:s10], [sflag:$0x6], $0xC800, $0x38;
	[tilespmem:$0x1C200] =	vst v63  }
0x45: {  	s1 =	rddreg [dreg:$0x8]  }
0x46: {  	[tilespmem:s31], [sflag:$0x2] =	stream.linear.gather [hbm4b:s1+s2], $0x1900, $0x38;
	[tilespmem:$0x1C200] =	vst v63  }
0x47: {  	_ =	swait.ge [sflag:s15], $0x1900  }
0x48: {  	[sflag:s15] =	ssyncset.done $0x0  }
0x49: {  	[sflag:s15] =	ssyncadd.s32 $0xFFFFE700  }
0x4a: {  	_ =	swait.ge [sflag:s7], $0xC800  }
0x4b: {  	[sflag:s7] =	ssyncset.done $0x0  }
0x4c: {  	[sflag:s7] =	ssyncadd.s32 $0xFFFF3800  }
0x4d: {  	_ =	swait.ge [sflag:s14], $0xC800  }
0x4e: {  	[sflag:s14] =	ssyncset.done $0x0  }
0x4f: {  	[sflag:s14] =	ssyncadd.s32 $0xFFFF3800  }
0x50: {  	[tilespmem:s10], [sflag:$0x4] =	stream.indirect.gather [hbm4b:s3+s31], $0x8, s31, s31, $0xb8;
	[tilespmem:$0x1C200] =	vst v63  }
0x51: {  	s0 =	rddreg [dreg:$0x9]  }
0x52: {  	[hbm4b:s0+s2] =	stream.linear.scatter [tilespmem:s8], [sflag:$0x5], $0xC800, $0x38;
	[tilespmem:$0x1C200] =	vst v63  }
0x53: {  	s1 =	rddreg [dreg:$0xa]  }
0x54: {  	[tilespmem:s2], [sflag:$0x1] =	stream.linear.gather [hbm4b:s1+s2], $0x1900, $0x38;
	[tilespmem:$0x1C200] =	vst v63  }
0x55: {  	_ =	swait.ge [sflag:s18], $0x1900  }
0x56: {  	[sflag:s18] =	ssyncset.done $0x0  }
0x57: {  	[sflag:s18] =	ssyncadd.s32 $0xFFFFE700  }
0x58: {  	_ =	swait.ge [sflag:s9], $0xC800  }
0x59: {  	[sflag:s9] =	ssyncset.done $0x0  }
0x5a: {  	[sflag:s9] =	ssyncadd.s32 $0xFFFF3800  }
0x5b: {  	_ =	swait.ge [sflag:s13], $0xC800  }
0x5c: {  	[sflag:s13] =	ssyncset.done $0x0  }
0x5d: {  	[sflag:s13] =	ssyncadd.s32 $0xFFFF3800  }
0x5e: {  	[tilespmem:s8], [sflag:$0x3] =	stream.indirect.gather [hbm4b:s3+s31], $0x8, s2, s31, $0xb8;
	[tilespmem:$0x1C200] =	vst v63  }
0x5f: {  	s0 =	rddreg [dreg:$0xb]  }
0x60: {  	[hbm4b:s0+s2] =	stream.linear.scatter [tilespmem:s10], [sflag:$0x6], $0xC800, $0x38;
	[tilespmem:$0x1C200] =	vst v63  }
0x61: {  	s1 =	rddreg [dreg:$0xc]  }
0x62: {  	[tilespmem:s31], [sflag:$0x2] =	stream.linear.gather [hbm4b:s1+s2], $0x1900, $0x38;
	[tilespmem:$0x1C200] =	vst v63  }
0x63: {  	_ =	swait.ge [sflag:s15], $0x1900  }
0x64: {  	[sflag:s15] =	ssyncset.done $0x0  }
0x65: {  	[sflag:s15] =	ssyncadd.s32 $0xFFFFE700  }
0x66: {  	_ =	swait.ge [sflag:s7], $0xC800  }
0x67: {  	[sflag:s7] =	ssyncset.done $0x0  }
0x68: {  	[sflag:s7] =	ssyncadd.s32 $0xFFFF3800  }
0x69: {  	_ =	swait.ge [sflag:s14], $0xC800  }
0x6a: {  	[sflag:s14] =	ssyncset.done $0x0  }
0x6b: {  	[sflag:s14] =	ssyncadd.s32 $0xFFFF3800  }
0x6c: {  	[tilespmem:s10], [sflag:$0x4] =	stream.indirect.gather [hbm4b:s3+s31], $0x8, s31, s31, $0xb8;
	[tilespmem:$0x1C200] =	vst v63  }
0x6d: {  	s0 =	rddreg [dreg:$0xd]  }
0x6e: {  	[hbm4b:s0+s2] =	stream.linear.scatter [tilespmem:s8], [sflag:$0x5], $0xC800, $0x38;
	[tilespmem:$0x1C200] =	vst v63  }
0x6f: {  	s1 =	rddreg [dreg:$0xe]  }
0x70: {  	[tilespmem:s2], [sflag:$0x1] =	stream.linear.gather [hbm4b:s1+s2], $0x1900, $0x38;
	[tilespmem:$0x1C200] =	vst v63  }
0x71: {  	_ =	swait.ge [sflag:s18], $0x1900  }
0x72: {  	[sflag:s18] =	ssyncset.done $0x0  }
0x73: {  	[sflag:s18] =	ssyncadd.s32 $0xFFFFE700  }
0x74: {  	_ =	swait.ge [sflag:s9], $0xC800  }
0x75: {  	[sflag:s9] =	ssyncset.done $0x0  }
0x76: {  	[sflag:s9] =	ssyncadd.s32 $0xFFFF3800  }
0x77: {  	_ =	swait.ge [sflag:s13], $0xC800  }
0x78: {  	[sflag:s13] =	ssyncset.done $0x0  }
0x79: {  	[sflag:s13] =	ssyncadd.s32 $0xFFFF3800  }
0x7a: {  	[tilespmem:s8], [sflag:$0x3] =	stream.indirect.gather [hbm4b:s3+s31], $0x8, s2, s31, $0xb8;
	[tilespmem:$0x1C200] =	vst v63  }
0x7b: {  	s0 =	rddreg [dreg:$0xf]  }
0x7c: {  	[hbm4b:s0+s2] =	stream.linear.scatter [tilespmem:s10], [sflag:$0x6], $0xC800, $0x38;
	[tilespmem:$0x1C200] =	vst v63  }
0x7d: {  	s1 =	rddreg [dreg:$0x10]  }
0x7e: {  	[tilespmem:s31], [sflag:$0x2] =	stream.linear.gather [hbm4b:s1+s2], $0x1900, $0x38;
	[tilespmem:$0x1C200] =	vst v63  }
0x7f: {  	_ =	swait.ge [sflag:s15], $0x1900  }
0x80: {  	[sflag:s15] =	ssyncset.done $0x0  }
0x81: {  	[sflag:s15] =	ssyncadd.s32 $0xFFFFE700  }
0x82: {  	_ =	swait.ge [sflag:s7], $0xC800  }
0x83: {  	[sflag:s7] =	ssyncset.done $0x0  }
0x84: {  	[sflag:s7] =	ssyncadd.s32 $0xFFFF3800  }
0x85: {  	_ =	swait.ge [sflag:s14], $0xC800  }
0x86: {  	[sflag:s14] =	ssyncset.done $0x0  }
0x87: {  	[sflag:s14] =	ssyncadd.s32 $0xFFFF3800  }
0x88: {  	[tilespmem:s10], [sflag:$0x4] =	stream.indirect.gather [hbm4b:s3+s31], $0x8, s31, s31, $0xb8;
	[tilespmem:$0x1C200] =	vst v63  }
0x89: {  	_ = 	snop  }
0x8a: {  	[hbm4b:s30+s2] =	stream.linear.scatter [tilespmem:s8], [sflag:$0x5], $0xC800, $0x38;
	[tilespmem:$0x1C200] =	vst v63  }
0x8b: {  	_ = 	snop  }
0x8c: {  	[tilespmem:s2], [sflag:$0x1] =	stream.linear.gather [hbm4b:s4+s2], $0x1900, $0x38;
	[tilespmem:$0x1C200] =	vst v63  }
0x8d: {  	_ =	swait.ge [sflag:s18], $0x1900  }
0x8e: {  	[sflag:s18] =	ssyncset.done $0x0  }
0x8f: {  	[sflag:s18] =	ssyncadd.s32 $0xFFFFE700  }
0x90: {  	_ =	swait.ge [sflag:s9], $0xC800  }
0x91: {  	[sflag:s9] =	ssyncset.done $0x0  }
0x92: {  	[sflag:s9] =	ssyncadd.s32 $0xFFFF3800  }
0x93: {  	_ =	swait.ge [sflag:s13], $0xC800  }
0x94: {  	[sflag:s13] =	ssyncset.done $0x0  }
0x95: {  	[sflag:s13] =	ssyncadd.s32 $0xFFFF3800  }
0x96: {  	[tilespmem:s8], [sflag:$0x3] =	stream.indirect.gather [hbm4b:s3+s31], $0x8, s2, s31, $0xb8;
	[tilespmem:$0x1C200] =	vst v63  }
0x97: {  	_ = 	snop  }
0x98: {  	[hbm4b:s28+s2] =	stream.linear.scatter [tilespmem:s10], [sflag:$0x6], $0xC800, $0x38;
	[tilespmem:$0x1C200] =	vst v63  }
0x99: {  	_ = 	snop  }
0x9a: {  	[tilespmem:s31], [sflag:$0x2] =	stream.linear.gather [hbm4b:s29+s2], $0x1900, $0x38;
	[tilespmem:$0x1C200] =	vst v63  }
0x9b: {  	_ =	swait.ge [sflag:s15], $0x1900  }
0x9c: {  	[sflag:s15] =	ssyncset.done $0x0  }
0x9d: {  	[sflag:s15] =	ssyncadd.s32 $0xFFFFE700  }
0x9e: {  	_ =	swait.ge [sflag:s7], $0xC800  }
0x9f: {  	[sflag:s7] =	ssyncset.done $0x0  }
0xa0: {  	[sflag:s7] =	ssyncadd.s32 $0xFFFF3800  }
0xa1: {  	_ =	swait.ge [sflag:s14], $0xC800  }
0xa2: {  	[sflag:s14] =	ssyncset.done $0x0  }
0xa3: {  	[sflag:s14] =	ssyncadd.s32 $0xFFFF3800  }
0xa4: {  	[tilespmem:s10], [sflag:$0x4] =	stream.indirect.gather [hbm4b:s3+s31], $0x8, s31, s31, $0xb8;
	[tilespmem:$0x1C200] =	vst v63  }
0xa5: {  	_ = 	snop  }
0xa6: {  	[hbm4b:s25+s2] =	stream.linear.scatter [tilespmem:s8], [sflag:$0x5], $0xC800, $0x38;
	[tilespmem:$0x1C200] =	vst v63  }
0xa7: {  	_ = 	snop  }
0xa8: {  	[tilespmem:s2], [sflag:$0x1] =	stream.linear.gather [hbm4b:s26+s2], $0x1900, $0x38;
	[tilespmem:$0x1C200] =	vst v63  }
0xa9: {  	_ =	swait.ge [sflag:s18], $0x1900  }
0xaa: {  	[sflag:s18] =	ssyncset.done $0x0  }
0xab: {  	[sflag:s18] =	ssyncadd.s32 $0xFFFFE700  }
0xac: {  	_ =	swait.ge [sflag:s9], $0xC800  }
0xad: {  	[sflag:s9] =	ssyncset.done $0x0  }
0xae: {  	[sflag:s9] =	ssyncadd.s32 $0xFFFF3800  }
0xaf: {  	_ =	swait.ge [sflag:s13], $0xC800  }
0xb0: {  	[sflag:s13] =	ssyncset.done $0x0  }
0xb1: {  	[sflag:s13] =	ssyncadd.s32 $0xFFFF3800  }
0xb2: {  	[tilespmem:s8], [sflag:$0x3] =	stream.indirect.gather [hbm4b:s3+s31], $0x8, s2, s31, $0xb8;
	[tilespmem:$0x1C200] =	vst v63  }
0xb3: {  	_ = 	snop  }
0xb4: {  	[hbm4b:s23+s2] =	stream.linear.scatter [tilespmem:s10], [sflag:$0x6], $0xC800, $0x38;
	[tilespmem:$0x1C200] =	vst v63  }
0xb5: {  	_ = 	snop  }
0xb6: {  	[tilespmem:s31], [sflag:$0x2] =	stream.linear.gather [hbm4b:s24+s2], $0x1900, $0x38;
	[tilespmem:$0x1C200] =	vst v63  }
0xb7: {  	_ =	swait.ge [sflag:s15], $0x1900  }
0xb8: {  	[sflag:s15] =	ssyncset.done $0x0  }
0xb9: {  	[sflag:s15] =	ssyncadd.s32 $0xFFFFE700  }
0xba: {  	_ =	swait.ge [sflag:s7], $0xC800  }
0xbb: {  	[sflag:s7] =	ssyncset.done $0x0  }
0xbc: {  	[sflag:s7] =	ssyncadd.s32 $0xFFFF3800  }
0xbd: {  	_ =	swait.ge [sflag:s14], $0xC800  }
0xbe: {  	[sflag:s14] =	ssyncset.done $0x0  }
0xbf: {  	[sflag:s14] =	ssyncadd.s32 $0xFFFF3800  }
0xc0: {  	[tilespmem:s10], [sflag:$0x4] =	stream.indirect.gather [hbm4b:s3+s31], $0x8, s31, s31, $0xb8;
	[tilespmem:$0x1C200] =	vst v63  }
0xc1: {  	_ = 	snop  }
0xc2: {  	[hbm4b:s20+s2] =	stream.linear.scatter [tilespmem:s8], [sflag:$0x5], $0xC800, $0x38;
	[tilespmem:$0x1C200] =	vst v63  }
0xc3: {  	_ = 	snop  }
0xc4: {  	[tilespmem:s2], [sflag:$0x1] =	stream.linear.gather [hbm4b:s22+s2], $0x1900, $0x38;
	[tilespmem:$0x1C200] =	vst v63  }
0xc5: {  	_ =	swait.ge [sflag:s18], $0x1900  }
0xc6: {  	[sflag:s18] =	ssyncset.done $0x0  }
0xc7: {  	[sflag:s18] =	ssyncadd.s32 $0xFFFFE700  }
0xc8: {  	_ =	swait.ge [sflag:s9], $0xC800  }
0xc9: {  	[sflag:s9] =	ssyncset.done $0x0  }
0xca: {  	[sflag:s9] =	ssyncadd.s32 $0xFFFF3800  }
0xcb: {  	_ =	swait.ge [sflag:s13], $0xC800  }
0xcc: {  	[sflag:s13] =	ssyncset.done $0x0  }
0xcd: {  	[sflag:s13] =	ssyncadd.s32 $0xFFFF3800  }
0xce: {  	[tilespmem:s8], [sflag:$0x3] =	stream.indirect.gather [hbm4b:s3+s31], $0x8, s2, s31, $0xb8;
	[tilespmem:$0x1C200] =	vst v63  }
0xcf: {  	s1 =	rddreg [dreg:$0x12]  }
0xd0: {  	[hbm4b:s1+s2] =	stream.linear.scatter [tilespmem:s10], [sflag:$0x6], $0xC800, $0x38;
	[tilespmem:$0x1C200] =	vst v63  }
0xd1: {  	_ = 	snop  }
0xd2: {  	[tilespmem:s31], [sflag:$0x2] =	stream.linear.gather [hbm4b:s21+s2], $0x1900, $0x38;
	[tilespmem:$0x1C200] =	vst v63  }
0xd3: {  	_ =	swait.ge [sflag:s15], $0x1900  }
0xd4: {  	[sflag:s15] =	ssyncset.done $0x0  }
0xd5: {  	[sflag:s15] =	ssyncadd.s32 $0xFFFFE700  }
0xd6: {  	_ =	swait.ge [sflag:s7], $0xC800  }
0xd7: {  	[sflag:s7] =	ssyncset.done $0x0  }
0xd8: {  	[sflag:s7] =	ssyncadd.s32 $0xFFFF3800  }
0xd9: {  	_ =	swait.ge [sflag:s14], $0xC800  }
0xda: {  	[sflag:s14] =	ssyncset.done $0x0  }
0xdb: {  	[sflag:s14] =	ssyncadd.s32 $0xFFFF3800  }
0xdc: {  	[tilespmem:s10], [sflag:$0x4] =	stream.indirect.gather [hbm4b:s3+s31], $0x8, s31, s31, $0xb8;
	[tilespmem:$0x1C200] =	vst v63  }
0xdd: {  	_ = 	snop  }
0xde: {  	[hbm4b:s17+s2] =	stream.linear.scatter [tilespmem:s8], [sflag:$0x5], $0xC800, $0x38;
	[tilespmem:$0x1C200] =	vst v63  }
0xdf: {  	_ = 	snop  }
0xe0: {  	[tilespmem:s2], [sflag:$0x1] =	stream.linear.gather [hbm4b:s19+s2], $0x1900, $0x38;
	[tilespmem:$0x1C200] =	vst v63  }
0xe1: {  	_ =	swait.ge [sflag:s18], $0x1900  }
0xe2: {  	[sflag:s18] =	ssyncset.done $0x0  }
0xe3: {  	[sflag:s18] =	ssyncadd.s32 $0xFFFFE700  }
0xe4: {  	_ =	swait.ge [sflag:s9], $0xC800  }
0xe5: {  	[sflag:s9] =	ssyncset.done $0x0  }
0xe6: {  	[sflag:s9] =	ssyncadd.s32 $0xFFFF3800  }
0xe7: {  	_ =	swait.ge [sflag:s13], $0xC800  }
0xe8: {  	[sflag:s13] =	ssyncset.done $0x0  }
0xe9: {  	[sflag:s13] =	ssyncadd.s32 $0xFFFF3800  }
0xea: {  	[tilespmem:s8], [sflag:$0x3] =	stream.indirect.gather [hbm4b:s3+s31], $0x8, s2, s31, $0xb8;
	[tilespmem:$0x1C200] =	vst v63  }
0xeb: {  	_ = 	snop  }
0xec: {  	[hbm4b:s12+s2] =	stream.linear.scatter [tilespmem:s10], [sflag:$0x6], $0xC800, $0x38;
	[tilespmem:$0x1C200] =	vst v63  }
0xed: {  	_ = 	snop  }
0xee: {  	[tilespmem:s31], [sflag:$0x2] =	stream.linear.gather [hbm4b:s16+s2], $0x1900, $0x38;
	[tilespmem:$0x1C200] =	vst v63  }
0xef: {  	_ =	swait.ge [sflag:s15], $0x1900  }
0xf0: {  	[sflag:s15] =	ssyncset.done $0x0  }
0xf1: {  	[sflag:s15] =	ssyncadd.s32 $0xFFFFE700  }
0xf2: {  	_ =	swait.ge [sflag:s7], $0xC800  }
0xf3: {  	[sflag:s7] =	ssyncset.done $0x0  }
0xf4: {  	[sflag:s7] =	ssyncadd.s32 $0xFFFF3800  }
0xf5: {  	_ =	swait.ge [sflag:s14], $0xC800  }
0xf6: {  	[sflag:s14] =	ssyncset.done $0x0  }
0xf7: {  	[sflag:s14] =	ssyncadd.s32 $0xFFFF3800  }
0xf8: {  	[tilespmem:s10], [sflag:$0x4] =	stream.indirect.gather [hbm4b:s3+s31], $0x8, s31, s31, $0xb8;
	[tilespmem:$0x1C200] =	vst v63  }
0xf9: {  	_ = 	snop  }
0xfa: {  	[hbm4b:s11+s2] =	stream.linear.scatter [tilespmem:s8], [sflag:$0x5], $0xC800, $0x38;
	[tilespmem:$0x1C200] =	vst v63  }
0xfb: {  	_ =	swait.ge [sflag:s13], $0xC800  }
0xfc: {  	[sflag:s13] =	ssyncset.done $0x0  }
0xfd: {  	p1 =	sne.s32 s6, $0x1;
	[sflag:s13] =	ssyncadd.s32 $0xFFFF3800  }
0xfe: {  	[hbm4b:s5+s2] =	stream.linear.scatter [tilespmem:s10], [sflag:$0x6], $0xC800, $0x38;
	[tilespmem:$0x1C200] =	vst v63  }
.Ltmp1:
0xff: {  	_ =	swait.ge [sflag:s9], $0xC800;
	(pc) =	sbr.rel @!p1 .LBB2_3-.Ltmp1, $4  }
0x100: {  	[sflag:s9] =	ssyncset.done $0x0  }
0x101: {  	[sflag:s9] =	ssyncadd.s32 $0xFFFF3800  }
0x102: {  	p0 =	por $0x1, $0x1;
	_ =	swait.ge [sflag:s7], $0xC800;
	[dreg:$0x11] =	wrdreg s4  }
0x103: {  	s0 =	sadd.s32 $0xFFFFFFFF, s6;
	s1 =	rddreg [dreg:$0x3];
	[sflag:s7] =	ssyncset.done $0x0  }
.LBB2_2:
0x104: {  	[sflag:s7] =	ssyncadd.s32 $0xFFFF3800  }
0x105: {  	[tilespmem:s2], [sflag:$0x1] =	stream.linear.gather [hbm4b:s1+s2], $0x1900, $0x38;
	[tilespmem:$0x1C200] =	vst v63  }
0x106: {  	s4 =	rddreg [dreg:$0x4]  }
0x107: {  	[tilespmem:s31], [sflag:$0x2] =	stream.linear.gather [hbm4b:s4+s2], $0x1900, $0x38;
	[tilespmem:$0x1C200] =	vst v63  }
0x108: {  	_ =	swait.ge [sflag:s18], $0x1900  }
0x109: {  	[sflag:s18] =	ssyncset.done $0x0  }
0x10a: {  	s10 =	simm.s32 $0x3200;
	[sflag:s18] =	ssyncadd.s32 $0xFFFFE700  }
0x10b: {  	[tilespmem:s10], [sflag:$0x3] =	stream.indirect.gather [hbm4b:s3+s31], $0x8, s2, s31, $0xb8;
	[tilespmem:$0x1C200] =	vst v63  }
0x10c: {  	_ =	swait.ge [sflag:s15], $0x1900  }
0x10d: {  	[sflag:s15] =	ssyncset.done $0x0  }
0x10e: {  	[sflag:s15] =	ssyncadd.s32 $0xFFFFE700  }
0x10f: {  	_ =	swait.ge [sflag:s14], $0xC800  }
0x110: {  	s6 =	simm.s32 $0xFA00;
	[sflag:s14] =	ssyncset.done $0x0  }
0x111: {  	s8 =	smov.u32 s30;
	s30 =	smov.u32 s29;
	[sflag:s14] =	ssyncadd.s32 $0xFFFF3800  }
0x112: {  	[tilespmem:s6], [sflag:$0x4] =	stream.indirect.gather [hbm4b:s3+s31], $0x8, s31, s31, $0xb8;
	[tilespmem:$0x1C200] =	vst v63  }
0x113: {  	s29 =	smov.u32 s28;
	s28 =	smov.u32 s26;
	s4 =	rddreg [dreg:$0x5]  }
0x114: {  	[hbm4b:s4+s2] =	stream.linear.scatter [tilespmem:s10], [sflag:$0x5], $0xC800, $0x38;
	[tilespmem:$0x1C200] =	vst v63  }
0x115: {  	s26 =	smov.u32 s25;
	s25 =	smov.u32 s24;
	s24 =	rddreg [dreg:$0x6]  }
0x116: {  	[tilespmem:s2], [sflag:$0x1] =	stream.linear.gather [hbm4b:s24+s2], $0x1900, $0x38;
	[tilespmem:$0x1C200] =	vst v63  }
0x117: {  	_ =	swait.ge [sflag:s18], $0x1900  }
0x118: {  	[sflag:s18] =	ssyncset.done $0x0  }
0x119: {  	[sflag:s18] =	ssyncadd.s32 $0xFFFFE700  }
0x11a: {  	_ =	swait.ge [sflag:s9], $0xC800  }
0x11b: {  	[sflag:s9] =	ssyncset.done $0x0  }
0x11c: {  	[sflag:s9] =	ssyncadd.s32 $0xFFFF3800  }
0x11d: {  	_ =	swait.ge [sflag:s13], $0xC800  }
0x11e: {  	[sflag:s13] =	ssyncset.done $0x0  }
0x11f: {  	[sflag:s13] =	ssyncadd.s32 $0xFFFF3800  }
0x120: {  	[tilespmem:s10], [sflag:$0x3] =	stream.indirect.gather [hbm4b:s3+s31], $0x8, s2, s31, $0xb8;
	[tilespmem:$0x1C200] =	vst v63  }
0x121: {  	s4 =	rddreg [dreg:$0x7]  }
0x122: {  	[hbm4b:s4+s2] =	stream.linear.scatter [tilespmem:s6], [sflag:$0x6], $0xC800, $0x38;
	[tilespmem:$0x1C200] =	vst v63  }
0x123: {  	s24 =	rddreg [dreg:$0x8]  }
0x124: {  	[tilespmem:s31], [sflag:$0x2] =	stream.linear.gather [hbm4b:s24+s2], $0x1900, $0x38;
	[tilespmem:$0x1C200] =	vst v63  }
0x125: {  	_ =	swait.ge [sflag:s15], $0x1900  }
0x126: {  	[sflag:s15] =	ssyncset.done $0x0  }
0x127: {  	[sflag:s15] =	ssyncadd.s32 $0xFFFFE700  }
0x128: {  	_ =	swait.ge [sflag:s7], $0xC800  }
0x129: {  	[sflag:s7] =	ssyncset.done $0x0  }
0x12a: {  	[sflag:s7] =	ssyncadd.s32 $0xFFFF3800  }
0x12b: {  	_ =	swait.ge [sflag:s14], $0xC800  }
0x12c: {  	[sflag:s14] =	ssyncset.done $0x0  }
0x12d: {  	[sflag:s14] =	ssyncadd.s32 $0xFFFF3800  }
0x12e: {  	[tilespmem:s6], [sflag:$0x4] =	stream.indirect.gather [hbm4b:s3+s31], $0x8, s31, s31, $0xb8;
	[tilespmem:$0x1C200] =	vst v63  }
0x12f: {  	s4 =	rddreg [dreg:$0x9]  }
0x130: {  	[hbm4b:s4+s2] =	stream.linear.scatter [tilespmem:s10], [sflag:$0x5], $0xC800, $0x38;
	[tilespmem:$0x1C200] =	vst v63  }
0x131: {  	s24 =	rddreg [dreg:$0xa]  }
0x132: {  	[tilespmem:s2], [sflag:$0x1] =	stream.linear.gather [hbm4b:s24+s2], $0x1900, $0x38;
	[tilespmem:$0x1C200] =	vst v63  }
0x133: {  	_ =	swait.ge [sflag:s18], $0x1900  }
0x134: {  	[sflag:s18] =	ssyncset.done $0x0  }
0x135: {  	[sflag:s18] =	ssyncadd.s32 $0xFFFFE700  }
0x136: {  	_ =	swait.ge [sflag:s9], $0xC800  }
0x137: {  	[sflag:s9] =	ssyncset.done $0x0  }
0x138: {  	[sflag:s9] =	ssyncadd.s32 $0xFFFF3800  }
0x139: {  	_ =	swait.ge [sflag:s13], $0xC800  }
0x13a: {  	[sflag:s13] =	ssyncset.done $0x0  }
0x13b: {  	[sflag:s13] =	ssyncadd.s32 $0xFFFF3800  }
0x13c: {  	[tilespmem:s10], [sflag:$0x3] =	stream.indirect.gather [hbm4b:s3+s31], $0x8, s2, s31, $0xb8;
	[tilespmem:$0x1C200] =	vst v63  }
0x13d: {  	s4 =	rddreg [dreg:$0xb]  }
0x13e: {  	[hbm4b:s4+s2] =	stream.linear.scatter [tilespmem:s6], [sflag:$0x6], $0xC800, $0x38;
	[tilespmem:$0x1C200] =	vst v63  }
0x13f: {  	s24 =	rddreg [dreg:$0xc]  }
0x140: {  	[tilespmem:s31], [sflag:$0x2] =	stream.linear.gather [hbm4b:s24+s2], $0x1900, $0x38;
	[tilespmem:$0x1C200] =	vst v63  }
0x141: {  	_ =	swait.ge [sflag:s15], $0x1900  }
0x142: {  	[sflag:s15] =	ssyncset.done $0x0  }
0x143: {  	[sflag:s15] =	ssyncadd.s32 $0xFFFFE700  }
0x144: {  	_ =	swait.ge [sflag:s7], $0xC800  }
0x145: {  	[sflag:s7] =	ssyncset.done $0x0  }
0x146: {  	[sflag:s7] =	ssyncadd.s32 $0xFFFF3800  }
0x147: {  	_ =	swait.ge [sflag:s14], $0xC800  }
0x148: {  	[sflag:s14] =	ssyncset.done $0x0  }
0x149: {  	[sflag:s14] =	ssyncadd.s32 $0xFFFF3800  }
0x14a: {  	[tilespmem:s6], [sflag:$0x4] =	stream.indirect.gather [hbm4b:s3+s31], $0x8, s31, s31, $0xb8;
	[tilespmem:$0x1C200] =	vst v63  }
0x14b: {  	s4 =	rddreg [dreg:$0xd]  }
0x14c: {  	[hbm4b:s4+s2] =	stream.linear.scatter [tilespmem:s10], [sflag:$0x5], $0xC800, $0x38;
	[tilespmem:$0x1C200] =	vst v63  }
0x14d: {  	s24 =	rddreg [dreg:$0xe]  }
0x14e: {  	[tilespmem:s2], [sflag:$0x1] =	stream.linear.gather [hbm4b:s24+s2], $0x1900, $0x38;
	[tilespmem:$0x1C200] =	vst v63  }
0x14f: {  	_ =	swait.ge [sflag:s18], $0x1900  }
0x150: {  	[sflag:s18] =	ssyncset.done $0x0  }
0x151: {  	[sflag:s18] =	ssyncadd.s32 $0xFFFFE700  }
0x152: {  	_ =	swait.ge [sflag:s9], $0xC800  }
0x153: {  	[sflag:s9] =	ssyncset.done $0x0  }
0x154: {  	[sflag:s9] =	ssyncadd.s32 $0xFFFF3800  }
0x155: {  	_ =	swait.ge [sflag:s13], $0xC800  }
0x156: {  	[sflag:s13] =	ssyncset.done $0x0  }
0x157: {  	s4 =	rddreg [dreg:$0xf];
	[sflag:s13] =	ssyncadd.s32 $0xFFFF3800  }
0x158: {  	[tilespmem:s10], [sflag:$0x3] =	stream.indirect.gather [hbm4b:s3+s31], $0x8, s2, s31, $0xb8;
	[tilespmem:$0x1C200] =	vst v63  }
0x159: {  	s1 =	smov.u32 s5;
	s6 =	rddreg [dreg:$0x10];
	s10 =	simm.s32 $0xFA00  }
0x15a: {  	[hbm4b:s4+s2] =	stream.linear.scatter [tilespmem:s10], [sflag:$0x6], $0xC800, $0x38;
	[tilespmem:$0x1C200] =	vst v63  }
0x15b: {  	s5 =	smov.u32 s11;
	s11 =	smov.u32 s16;
	s16 =	rddreg [dreg:$0x12]  }
0x15c: {  	[tilespmem:s31], [sflag:$0x2] =	stream.linear.gather [hbm4b:s6+s2], $0x1900, $0x38;
	[tilespmem:$0x1C200] =	vst v63  }
0x15d: {  	s4 =	rddreg [dreg:$0x11];
	_ =	swait.ge [sflag:s15], $0x1900  }
0x15e: {  	[sflag:s15] =	ssyncset.done $0x0  }
0x15f: {  	[sflag:s15] =	ssyncadd.s32 $0xFFFFE700  }
0x160: {  	_ =	swait.ge [sflag:s7], $0xC800  }
0x161: {  	[sflag:s7] =	ssyncset.done $0x0  }
0x162: {  	[sflag:s7] =	ssyncadd.s32 $0xFFFF3800  }
0x163: {  	_ =	swait.ge [sflag:s14], $0xC800  }
0x164: {  	s24 =	smov.u32 s25;
	s25 =	smov.u32 s26;
	[sflag:s14] =	ssyncset.done $0x0  }
0x165: {  	s26 =	smov.u32 s28;
	s28 =	smov.u32 s29;
	[sflag:s14] =	ssyncadd.s32 $0xFFFF3800  }
0x166: {  	[tilespmem:s10], [sflag:$0x4] =	stream.indirect.gather [hbm4b:s3+s31], $0x8, s31, s31, $0xb8;
	[tilespmem:$0x1C200] =	vst v63  }
0x167: {  	s29 =	smov.u32 s30;
	s30 =	smov.u32 s8;
	s8 =	simm.s32 $0x3200  }
0x168: {  	[hbm4b:s30+s2] =	stream.linear.scatter [tilespmem:s8], [sflag:$0x5], $0xC800, $0x38;
	[tilespmem:$0x1C200] =	vst v63  }
0x169: {  	_ = 	snop  }
0x16a: {  	[tilespmem:s2], [sflag:$0x1] =	stream.linear.gather [hbm4b:s4+s2], $0x1900, $0x38;
	[tilespmem:$0x1C200] =	vst v63  }
0x16b: {  	_ =	swait.ge [sflag:s18], $0x1900  }
0x16c: {  	[sflag:s18] =	ssyncset.done $0x0  }
0x16d: {  	[sflag:s18] =	ssyncadd.s32 $0xFFFFE700  }
0x16e: {  	_ =	swait.ge [sflag:s9], $0xC800  }
0x16f: {  	[sflag:s9] =	ssyncset.done $0x0  }
0x170: {  	[sflag:s9] =	ssyncadd.s32 $0xFFFF3800  }
0x171: {  	_ =	swait.ge [sflag:s13], $0xC800  }
0x172: {  	[sflag:s13] =	ssyncset.done $0x0  }
0x173: {  	[sflag:s13] =	ssyncadd.s32 $0xFFFF3800  }
0x174: {  	[tilespmem:s8], [sflag:$0x3] =	stream.indirect.gather [hbm4b:s3+s31], $0x8, s2, s31, $0xb8;
	[tilespmem:$0x1C200] =	vst v63  }
0x175: {  	_ = 	snop  }
0x176: {  	[hbm4b:s28+s2] =	stream.linear.scatter [tilespmem:s10], [sflag:$0x6], $0xC800, $0x38;
	[tilespmem:$0x1C200] =	vst v63  }
0x177: {  	_ = 	snop  }
0x178: {  	[tilespmem:s31], [sflag:$0x2] =	stream.linear.gather [hbm4b:s29+s2], $0x1900, $0x38;
	[tilespmem:$0x1C200] =	vst v63  }
0x179: {  	_ =	swait.ge [sflag:s15], $0x1900  }
0x17a: {  	[sflag:s15] =	ssyncset.done $0x0  }
0x17b: {  	[sflag:s15] =	ssyncadd.s32 $0xFFFFE700  }
0x17c: {  	_ =	swait.ge [sflag:s7], $0xC800  }
0x17d: {  	[sflag:s7] =	ssyncset.done $0x0  }
0x17e: {  	[sflag:s7] =	ssyncadd.s32 $0xFFFF3800  }
0x17f: {  	_ =	swait.ge [sflag:s14], $0xC800  }
0x180: {  	[sflag:s14] =	ssyncset.done $0x0  }
0x181: {  	[sflag:s14] =	ssyncadd.s32 $0xFFFF3800  }
0x182: {  	[tilespmem:s10], [sflag:$0x4] =	stream.indirect.gather [hbm4b:s3+s31], $0x8, s31, s31, $0xb8;
	[tilespmem:$0x1C200] =	vst v63  }
0x183: {  	_ = 	snop  }
0x184: {  	[hbm4b:s25+s2] =	stream.linear.scatter [tilespmem:s8], [sflag:$0x5], $0xC800, $0x38;
	[tilespmem:$0x1C200] =	vst v63  }
0x185: {  	_ = 	snop  }
0x186: {  	[tilespmem:s2], [sflag:$0x1] =	stream.linear.gather [hbm4b:s26+s2], $0x1900, $0x38;
	[tilespmem:$0x1C200] =	vst v63  }
0x187: {  	_ =	swait.ge [sflag:s18], $0x1900  }
0x188: {  	[sflag:s18] =	ssyncset.done $0x0  }
0x189: {  	[sflag:s18] =	ssyncadd.s32 $0xFFFFE700  }
0x18a: {  	_ =	swait.ge [sflag:s9], $0xC800  }
0x18b: {  	[sflag:s9] =	ssyncset.done $0x0  }
0x18c: {  	[sflag:s9] =	ssyncadd.s32 $0xFFFF3800  }
0x18d: {  	_ =	swait.ge [sflag:s13], $0xC800  }
0x18e: {  	[sflag:s13] =	ssyncset.done $0x0  }
0x18f: {  	[sflag:s13] =	ssyncadd.s32 $0xFFFF3800  }
0x190: {  	[tilespmem:s8], [sflag:$0x3] =	stream.indirect.gather [hbm4b:s3+s31], $0x8, s2, s31, $0xb8;
	[tilespmem:$0x1C200] =	vst v63  }
0x191: {  	_ = 	snop  }
0x192: {  	[hbm4b:s23+s2] =	stream.linear.scatter [tilespmem:s10], [sflag:$0x6], $0xC800, $0x38;
	[tilespmem:$0x1C200] =	vst v63  }
0x193: {  	_ = 	snop  }
0x194: {  	[tilespmem:s31], [sflag:$0x2] =	stream.linear.gather [hbm4b:s24+s2], $0x1900, $0x38;
	[tilespmem:$0x1C200] =	vst v63  }
0x195: {  	_ =	swait.ge [sflag:s15], $0x1900  }
0x196: {  	[sflag:s15] =	ssyncset.done $0x0  }
0x197: {  	[sflag:s15] =	ssyncadd.s32 $0xFFFFE700  }
0x198: {  	_ =	swait.ge [sflag:s7], $0xC800  }
0x199: {  	[sflag:s7] =	ssyncset.done $0x0  }
0x19a: {  	[sflag:s7] =	ssyncadd.s32 $0xFFFF3800  }
0x19b: {  	_ =	swait.ge [sflag:s14], $0xC800  }
0x19c: {  	[sflag:s14] =	ssyncset.done $0x0  }
0x19d: {  	[sflag:s14] =	ssyncadd.s32 $0xFFFF3800  }
0x19e: {  	[tilespmem:s10], [sflag:$0x4] =	stream.indirect.gather [hbm4b:s3+s31], $0x8, s31, s31, $0xb8;
	[tilespmem:$0x1C200] =	vst v63  }
0x19f: {  	_ = 	snop  }
0x1a0: {  	[hbm4b:s20+s2] =	stream.linear.scatter [tilespmem:s8], [sflag:$0x5], $0xC800, $0x38;
	[tilespmem:$0x1C200] =	vst v63  }
0x1a1: {  	_ = 	snop  }
0x1a2: {  	[tilespmem:s2], [sflag:$0x1] =	stream.linear.gather [hbm4b:s22+s2], $0x1900, $0x38;
	[tilespmem:$0x1C200] =	vst v63  }
0x1a3: {  	_ =	swait.ge [sflag:s18], $0x1900  }
0x1a4: {  	[sflag:s18] =	ssyncset.done $0x0  }
0x1a5: {  	[sflag:s18] =	ssyncadd.s32 $0xFFFFE700  }
0x1a6: {  	_ =	swait.ge [sflag:s9], $0xC800  }
0x1a7: {  	[sflag:s9] =	ssyncset.done $0x0  }
0x1a8: {  	[sflag:s9] =	ssyncadd.s32 $0xFFFF3800  }
0x1a9: {  	_ =	swait.ge [sflag:s13], $0xC800  }
0x1aa: {  	[sflag:s13] =	ssyncset.done $0x0  }
0x1ab: {  	[sflag:s13] =	ssyncadd.s32 $0xFFFF3800  }
0x1ac: {  	[tilespmem:s8], [sflag:$0x3] =	stream.indirect.gather [hbm4b:s3+s31], $0x8, s2, s31, $0xb8;
	[tilespmem:$0x1C200] =	vst v63  }
0x1ad: {  	_ = 	snop  }
0x1ae: {  	[hbm4b:s16+s2] =	stream.linear.scatter [tilespmem:s10], [sflag:$0x6], $0xC800, $0x38;
	[tilespmem:$0x1C200] =	vst v63  }
0x1af: {  	_ = 	snop  }
0x1b0: {  	[tilespmem:s31], [sflag:$0x2] =	stream.linear.gather [hbm4b:s21+s2], $0x1900, $0x38;
	[tilespmem:$0x1C200] =	vst v63  }
0x1b1: {  	_ =	swait.ge [sflag:s15], $0x1900  }
0x1b2: {  	[sflag:s15] =	ssyncset.done $0x0  }
0x1b3: {  	[sflag:s15] =	ssyncadd.s32 $0xFFFFE700  }
0x1b4: {  	_ =	swait.ge [sflag:s7], $0xC800  }
0x1b5: {  	[sflag:s7] =	ssyncset.done $0x0  }
0x1b6: {  	[sflag:s7] =	ssyncadd.s32 $0xFFFF3800  }
0x1b7: {  	_ =	swait.ge [sflag:s14], $0xC800  }
0x1b8: {  	[sflag:s14] =	ssyncset.done $0x0  }
0x1b9: {  	[sflag:s14] =	ssyncadd.s32 $0xFFFF3800  }
0x1ba: {  	[tilespmem:s10], [sflag:$0x4] =	stream.indirect.gather [hbm4b:s3+s31], $0x8, s31, s31, $0xb8;
	[tilespmem:$0x1C200] =	vst v63  }
0x1bb: {  	s6 =	smov.u32 s12;
	s12 =	smov.u32 s17  }
0x1bc: {  	[hbm4b:s12+s2] =	stream.linear.scatter [tilespmem:s8], [sflag:$0x5], $0xC800, $0x38;
	[tilespmem:$0x1C200] =	vst v63  }
0x1bd: {  	_ = 	snop  }
0x1be: {  	[tilespmem:s2], [sflag:$0x1] =	stream.linear.gather [hbm4b:s19+s2], $0x1900, $0x38;
	[tilespmem:$0x1C200] =	vst v63  }
0x1bf: {  	_ =	swait.ge [sflag:s18], $0x1900  }
0x1c0: {  	[sflag:s18] =	ssyncset.done $0x0  }
0x1c1: {  	[sflag:s18] =	ssyncadd.s32 $0xFFFFE700  }
0x1c2: {  	_ =	swait.ge [sflag:s9], $0xC800  }
0x1c3: {  	[sflag:s9] =	ssyncset.done $0x0  }
0x1c4: {  	[sflag:s9] =	ssyncadd.s32 $0xFFFF3800  }
0x1c5: {  	_ =	swait.ge [sflag:s13], $0xC800  }
0x1c6: {  	[sflag:s13] =	ssyncset.done $0x0  }
0x1c7: {  	[sflag:s13] =	ssyncadd.s32 $0xFFFF3800  }
0x1c8: {  	[tilespmem:s8], [sflag:$0x3] =	stream.indirect.gather [hbm4b:s3+s31], $0x8, s2, s31, $0xb8;
	[tilespmem:$0x1C200] =	vst v63  }
0x1c9: {  	_ = 	snop  }
0x1ca: {  	[hbm4b:s6+s2] =	stream.linear.scatter [tilespmem:s10], [sflag:$0x6], $0xC800, $0x38;
	[tilespmem:$0x1C200] =	vst v63  }
0x1cb: {  	_ = 	snop  }
0x1cc: {  	[tilespmem:s31], [sflag:$0x2] =	stream.linear.gather [hbm4b:s11+s2], $0x1900, $0x38;
	[tilespmem:$0x1C200] =	vst v63  }
0x1cd: {  	_ =	swait.ge [sflag:s15], $0x1900  }
0x1ce: {  	[sflag:s15] =	ssyncset.done $0x0  }
0x1cf: {  	[sflag:s15] =	ssyncadd.s32 $0xFFFFE700  }
0x1d0: {  	_ =	swait.ge [sflag:s7], $0xC800  }
0x1d1: {  	[sflag:s7] =	ssyncset.done $0x0  }
0x1d2: {  	[sflag:s7] =	ssyncadd.s32 $0xFFFF3800  }
0x1d3: {  	_ =	swait.ge [sflag:s14], $0xC800  }
0x1d4: {  	[sflag:s14] =	ssyncset.done $0x0  }
0x1d5: {  	[sflag:s14] =	ssyncadd.s32 $0xFFFF3800  }
0x1d6: {  	[tilespmem:s10], [sflag:$0x4] =	stream.indirect.gather [hbm4b:s3+s31], $0x8, s31, s31, $0xb8;
	[tilespmem:$0x1C200] =	vst v63  }
0x1d7: {  	_ = 	snop  }
0x1d8: {  	[hbm4b:s5+s2] =	stream.linear.scatter [tilespmem:s8], [sflag:$0x5], $0xC800, $0x38;
	[tilespmem:$0x1C200] =	vst v63  }
0x1d9: {  	_ =	swait.ge [sflag:s13], $0xC800  }
0x1da: {  	[sflag:s13] =	ssyncset.done $0x0  }
0x1db: {  	p1 =	sne.s32 s0, $0x1;
	[sflag:s13] =	ssyncadd.s32 $0xFFFF3800  }
0x1dc: {  	[hbm4b:s1+s2] =	stream.linear.scatter [tilespmem:s10], [sflag:$0x6], $0xC800, $0x38;
	[tilespmem:$0x1C200] =	vst v63  }
.Ltmp2:
0x1dd: {  	_ =	swait.ge [sflag:s9], $0xC800;
	(pc) =	sbr.rel @p1 .LBB2_2-.Ltmp2, $4  }
0x1de: {  	s0 =	sadd.s32 $0xFFFFFFFF, s0;
	[sflag:s9] =	ssyncset.done $0x0  }
0x1df: {  	s17 =	smov.u32 s12;
	s16 =	smov.u32 s11;
	[sflag:s9] =	ssyncadd.s32 $0xFFFF3800  }
0x1e0: {  	s12 =	smov.u32 s6;
	s11 =	smov.u32 s5;
	_ =	swait.ge [sflag:s7], $0xC800  }
0x1e1: {  	s5 =	smov.u32 s1;
	s1 =	rddreg [dreg:$0x3];
	[sflag:s7] =	ssyncset.done $0x0  }
.LBB2_3:
0x1e2: {  	[sflag:s7] =	ssyncadd.s32 @p0 $0xFFFF3800  }
0x1e3: {  	[tilespmem:s2], [sflag:$0x1] =	stream.linear.gather [hbm4b:s1+s2], $0x1900, $0x38;
	[tilespmem:$0x1C200] =	vst v63  }
0x1e4: {  	s0 =	rddreg [dreg:$0x4]  }
0x1e5: {  	[tilespmem:s31], [sflag:$0x2] =	stream.linear.gather [hbm4b:s0+s2], $0x1900, $0x38;
	[tilespmem:$0x1C200] =	vst v63  }
0x1e6: {  	_ =	swait.ge [sflag:s18], $0x1900  }
0x1e7: {  	[sflag:s18] =	ssyncset.done $0x0  }
0x1e8: {  	[sflag:s18] =	ssyncadd.s32 $0xFFFFE700  }
0x1e9: {  	[tilespmem:s8], [sflag:$0x3] =	stream.indirect.gather [hbm4b:s3+s31], $0x8, s2, s31, $0xb8;
	[tilespmem:$0x1C200] =	vst v63  }
0x1ea: {  	_ =	swait.ge [sflag:s15], $0x1900  }
0x1eb: {  	[sflag:s15] =	ssyncset.done $0x0  }
0x1ec: {  	[sflag:s15] =	ssyncadd.s32 $0xFFFFE700  }
0x1ed: {  	_ =	swait.ge [sflag:s14], $0xC800  }
0x1ee: {  	[sflag:s14] =	ssyncset.done $0x0  }
0x1ef: {  	[sflag:s14] =	ssyncadd.s32 $0xFFFF3800  }
0x1f0: {  	[tilespmem:s10], [sflag:$0x4] =	stream.indirect.gather [hbm4b:s3+s31], $0x8, s31, s31, $0xb8;
	[tilespmem:$0x1C200] =	vst v63  }
0x1f1: {  	s1 =	rddreg [dreg:$0x5]  }
0x1f2: {  	[hbm4b:s1+s2] =	stream.linear.scatter [tilespmem:s8], [sflag:$0x5], $0xC800, $0x38;
	[tilespmem:$0x1C200] =	vst v63  }
0x1f3: {  	s6 =	rddreg [dreg:$0x6]  }
0x1f4: {  	[tilespmem:s2], [sflag:$0x1] =	stream.linear.gather [hbm4b:s6+s2], $0x1900, $0x38;
	[tilespmem:$0x1C200] =	vst v63  }
0x1f5: {  	_ =	swait.ge [sflag:s18], $0x1900  }
0x1f6: {  	[sflag:s18] =	ssyncset.done $0x0  }
0x1f7: {  	[sflag:s18] =	ssyncadd.s32 $0xFFFFE700  }
0x1f8: {  	_ =	swait.ge [sflag:s9], $0xC800  }
0x1f9: {  	[sflag:s9] =	ssyncset.done $0x0  }
0x1fa: {  	[sflag:s9] =	ssyncadd.s32 $0xFFFF3800  }
0x1fb: {  	_ =	swait.ge [sflag:s13], $0xC800  }
0x1fc: {  	[sflag:s13] =	ssyncset.done $0x0  }
0x1fd: {  	[sflag:s13] =	ssyncadd.s32 $0xFFFF3800  }
0x1fe: {  	[tilespmem:s8], [sflag:$0x3] =	stream.indirect.gather [hbm4b:s3+s31], $0x8, s2, s31, $0xb8;
	[tilespmem:$0x1C200] =	vst v63  }
0x1ff: {  	s1 =	rddreg [dreg:$0x7]  }
0x200: {  	[hbm4b:s1+s2] =	stream.linear.scatter [tilespmem:s10], [sflag:$0x6], $0xC800, $0x38;
	[tilespmem:$0x1C200] =	vst v63  }
0x201: {  	s6 =	rddreg [dreg:$0x8]  }
0x202: {  	[tilespmem:s31], [sflag:$0x2] =	stream.linear.gather [hbm4b:s6+s2], $0x1900, $0x38;
	[tilespmem:$0x1C200] =	vst v63  }
0x203: {  	_ =	swait.ge [sflag:s15], $0x1900  }
0x204: {  	[sflag:s15] =	ssyncset.done $0x0  }
0x205: {  	[sflag:s15] =	ssyncadd.s32 $0xFFFFE700  }
0x206: {  	_ =	swait.ge [sflag:s7], $0xC800  }
0x207: {  	[sflag:s7] =	ssyncset.done $0x0  }
0x208: {  	[sflag:s7] =	ssyncadd.s32 $0xFFFF3800  }
0x209: {  	_ =	swait.ge [sflag:s14], $0xC800  }
0x20a: {  	[sflag:s14] =	ssyncset.done $0x0  }
0x20b: {  	[sflag:s14] =	ssyncadd.s32 $0xFFFF3800  }
0x20c: {  	[tilespmem:s10], [sflag:$0x4] =	stream.indirect.gather [hbm4b:s3+s31], $0x8, s31, s31, $0xb8;
	[tilespmem:$0x1C200] =	vst v63  }
0x20d: {  	s1 =	rddreg [dreg:$0x9]  }
0x20e: {  	[hbm4b:s1+s2] =	stream.linear.scatter [tilespmem:s8], [sflag:$0x5], $0xC800, $0x38;
	[tilespmem:$0x1C200] =	vst v63  }
0x20f: {  	s6 =	rddreg [dreg:$0xa]  }
0x210: {  	[tilespmem:s2], [sflag:$0x1] =	stream.linear.gather [hbm4b:s6+s2], $0x1900, $0x38;
	[tilespmem:$0x1C200] =	vst v63  }
0x211: {  	_ =	swait.ge [sflag:s18], $0x1900  }
0x212: {  	[sflag:s18] =	ssyncset.done $0x0  }
0x213: {  	[sflag:s18] =	ssyncadd.s32 $0xFFFFE700  }
0x214: {  	_ =	swait.ge [sflag:s9], $0xC800  }
0x215: {  	[sflag:s9] =	ssyncset.done $0x0  }
0x216: {  	[sflag:s9] =	ssyncadd.s32 $0xFFFF3800  }
0x217: {  	_ =	swait.ge [sflag:s13], $0xC800  }
0x218: {  	[sflag:s13] =	ssyncset.done $0x0  }
0x219: {  	[sflag:s13] =	ssyncadd.s32 $0xFFFF3800  }
0x21a: {  	[tilespmem:s8], [sflag:$0x3] =	stream.indirect.gather [hbm4b:s3+s31], $0x8, s2, s31, $0xb8;
	[tilespmem:$0x1C200] =	vst v63  }
0x21b: {  	s1 =	rddreg [dreg:$0xb]  }
0x21c: {  	[hbm4b:s1+s2] =	stream.linear.scatter [tilespmem:s10], [sflag:$0x6], $0xC800, $0x38;
	[tilespmem:$0x1C200] =	vst v63  }
0x21d: {  	s6 =	rddreg [dreg:$0xc]  }
0x21e: {  	[tilespmem:s31], [sflag:$0x2] =	stream.linear.gather [hbm4b:s6+s2], $0x1900, $0x38;
	[tilespmem:$0x1C200] =	vst v63  }
0x21f: {  	_ =	swait.ge [sflag:s15], $0x1900  }
0x220: {  	[sflag:s15] =	ssyncset.done $0x0  }
0x221: {  	[sflag:s15] =	ssyncadd.s32 $0xFFFFE700  }
0x222: {  	_ =	swait.ge [sflag:s7], $0xC800  }
0x223: {  	[sflag:s7] =	ssyncset.done $0x0  }
0x224: {  	[sflag:s7] =	ssyncadd.s32 $0xFFFF3800  }
0x225: {  	_ =	swait.ge [sflag:s14], $0xC800  }
0x226: {  	[sflag:s14] =	ssyncset.done $0x0  }
0x227: {  	[sflag:s14] =	ssyncadd.s32 $0xFFFF3800  }
0x228: {  	[tilespmem:s10], [sflag:$0x4] =	stream.indirect.gather [hbm4b:s3+s31], $0x8, s31, s31, $0xb8;
	[tilespmem:$0x1C200] =	vst v63  }
0x229: {  	s1 =	rddreg [dreg:$0xd]  }
0x22a: {  	[hbm4b:s1+s2] =	stream.linear.scatter [tilespmem:s8], [sflag:$0x5], $0xC800, $0x38;
	[tilespmem:$0x1C200] =	vst v63  }
0x22b: {  	s6 =	rddreg [dreg:$0xe]  }
0x22c: {  	[tilespmem:s2], [sflag:$0x1] =	stream.linear.gather [hbm4b:s6+s2], $0x1900, $0x38;
	[tilespmem:$0x1C200] =	vst v63  }
0x22d: {  	_ =	swait.ge [sflag:s18], $0x1900  }
0x22e: {  	[sflag:s18] =	ssyncset.done $0x0  }
0x22f: {  	[sflag:s18] =	ssyncadd.s32 $0xFFFFE700  }
0x230: {  	_ =	swait.ge [sflag:s9], $0xC800  }
0x231: {  	[sflag:s9] =	ssyncset.done $0x0  }
0x232: {  	[sflag:s9] =	ssyncadd.s32 $0xFFFF3800  }
0x233: {  	_ =	swait.ge [sflag:s13], $0xC800  }
0x234: {  	[sflag:s13] =	ssyncset.done $0x0  }
0x235: {  	[sflag:s13] =	ssyncadd.s32 $0xFFFF3800  }
0x236: {  	[tilespmem:s8], [sflag:$0x3] =	stream.indirect.gather [hbm4b:s3+s31], $0x8, s2, s31, $0xb8;
	[tilespmem:$0x1C200] =	vst v63  }
0x237: {  	s1 =	rddreg [dreg:$0xf]  }
0x238: {  	[hbm4b:s1+s2] =	stream.linear.scatter [tilespmem:s10], [sflag:$0x6], $0xC800, $0x38;
	[tilespmem:$0x1C200] =	vst v63  }
0x239: {  	s6 =	rddreg [dreg:$0x10]  }
0x23a: {  	[tilespmem:s31], [sflag:$0x2] =	stream.linear.gather [hbm4b:s6+s2], $0x1900, $0x38;
	[tilespmem:$0x1C200] =	vst v63  }
0x23b: {  	_ =	swait.ge [sflag:s15], $0x1900  }
0x23c: {  	[sflag:s15] =	ssyncset.done $0x0  }
0x23d: {  	[sflag:s15] =	ssyncadd.s32 $0xFFFFE700  }
0x23e: {  	_ =	swait.ge [sflag:s7], $0xC800  }
0x23f: {  	[sflag:s7] =	ssyncset.done $0x0  }
0x240: {  	[sflag:s7] =	ssyncadd.s32 $0xFFFF3800  }
0x241: {  	_ =	swait.ge [sflag:s14], $0xC800  }
0x242: {  	[sflag:s14] =	ssyncset.done $0x0  }
0x243: {  	[sflag:s14] =	ssyncadd.s32 $0xFFFF3800  }
0x244: {  	[tilespmem:s10], [sflag:$0x4] =	stream.indirect.gather [hbm4b:s3+s31], $0x8, s31, s31, $0xb8;
	[tilespmem:$0x1C200] =	vst v63  }
0x245: {  	_ = 	snop  }
0x246: {  	[hbm4b:s30+s2] =	stream.linear.scatter [tilespmem:s8], [sflag:$0x5], $0xC800, $0x38;
	[tilespmem:$0x1C200] =	vst v63  }
0x247: {  	_ = 	snop  }
0x248: {  	[tilespmem:s2], [sflag:$0x1] =	stream.linear.gather [hbm4b:s4+s2], $0x1900, $0x38;
	[tilespmem:$0x1C200] =	vst v63  }
0x249: {  	_ =	swait.ge [sflag:s18], $0x1900  }
0x24a: {  	[sflag:s18] =	ssyncset.done $0x0  }
0x24b: {  	[sflag:s18] =	ssyncadd.s32 $0xFFFFE700  }
0x24c: {  	_ =	swait.ge [sflag:s9], $0xC800  }
0x24d: {  	[sflag:s9] =	ssyncset.done $0x0  }
0x24e: {  	[sflag:s9] =	ssyncadd.s32 $0xFFFF3800  }
0x24f: {  	_ =	swait.ge [sflag:s13], $0xC800  }
0x250: {  	[sflag:s13] =	ssyncset.done $0x0  }
0x251: {  	[sflag:s13] =	ssyncadd.s32 $0xFFFF3800  }
0x252: {  	[tilespmem:s8], [sflag:$0x3] =	stream.indirect.gather [hbm4b:s3+s31], $0x8, s2, s31, $0xb8;
	[tilespmem:$0x1C200] =	vst v63  }
0x253: {  	_ = 	snop  }
0x254: {  	[hbm4b:s28+s2] =	stream.linear.scatter [tilespmem:s10], [sflag:$0x6], $0xC800, $0x38;
	[tilespmem:$0x1C200] =	vst v63  }
0x255: {  	_ = 	snop  }
0x256: {  	[tilespmem:s31], [sflag:$0x2] =	stream.linear.gather [hbm4b:s29+s2], $0x1900, $0x38;
	[tilespmem:$0x1C200] =	vst v63  }
0x257: {  	_ =	swait.ge [sflag:s15], $0x1900  }
0x258: {  	[sflag:s15] =	ssyncset.done $0x0  }
0x259: {  	[sflag:s15] =	ssyncadd.s32 $0xFFFFE700  }
0x25a: {  	_ =	swait.ge [sflag:s7], $0xC800  }
0x25b: {  	[sflag:s7] =	ssyncset.done $0x0  }
0x25c: {  	[sflag:s7] =	ssyncadd.s32 $0xFFFF3800  }
0x25d: {  	_ =	swait.ge [sflag:s14], $0xC800  }
0x25e: {  	[sflag:s14] =	ssyncset.done $0x0  }
0x25f: {  	[sflag:s14] =	ssyncadd.s32 $0xFFFF3800  }
0x260: {  	[tilespmem:s10], [sflag:$0x4] =	stream.indirect.gather [hbm4b:s3+s31], $0x8, s31, s31, $0xb8;
	[tilespmem:$0x1C200] =	vst v63  }
0x261: {  	_ = 	snop  }
0x262: {  	[hbm4b:s25+s2] =	stream.linear.scatter [tilespmem:s8], [sflag:$0x5], $0xC800, $0x38;
	[tilespmem:$0x1C200] =	vst v63  }
0x263: {  	_ = 	snop  }
0x264: {  	[tilespmem:s2], [sflag:$0x1] =	stream.linear.gather [hbm4b:s26+s2], $0x1900, $0x38;
	[tilespmem:$0x1C200] =	vst v63  }
0x265: {  	_ =	swait.ge [sflag:s18], $0x1900  }
0x266: {  	[sflag:s18] =	ssyncset.done $0x0  }
0x267: {  	[sflag:s18] =	ssyncadd.s32 $0xFFFFE700  }
0x268: {  	_ =	swait.ge [sflag:s9], $0xC800  }
0x269: {  	[sflag:s9] =	ssyncset.done $0x0  }
0x26a: {  	[sflag:s9] =	ssyncadd.s32 $0xFFFF3800  }
0x26b: {  	_ =	swait.ge [sflag:s13], $0xC800  }
0x26c: {  	[sflag:s13] =	ssyncset.done $0x0  }
0x26d: {  	[sflag:s13] =	ssyncadd.s32 $0xFFFF3800  }
0x26e: {  	[tilespmem:s8], [sflag:$0x3] =	stream.indirect.gather [hbm4b:s3+s31], $0x8, s2, s31, $0xb8;
	[tilespmem:$0x1C200] =	vst v63  }
0x26f: {  	_ = 	snop  }
0x270: {  	[hbm4b:s23+s2] =	stream.linear.scatter [tilespmem:s10], [sflag:$0x6], $0xC800, $0x38;
	[tilespmem:$0x1C200] =	vst v63  }
0x271: {  	_ = 	snop  }
0x272: {  	[tilespmem:s31], [sflag:$0x2] =	stream.linear.gather [hbm4b:s24+s2], $0x1900, $0x38;
	[tilespmem:$0x1C200] =	vst v63  }
0x273: {  	_ =	swait.ge [sflag:s15], $0x1900  }
0x274: {  	[sflag:s15] =	ssyncset.done $0x0  }
0x275: {  	[sflag:s15] =	ssyncadd.s32 $0xFFFFE700  }
0x276: {  	_ =	swait.ge [sflag:s7], $0xC800  }
0x277: {  	[sflag:s7] =	ssyncset.done $0x0  }
0x278: {  	[sflag:s7] =	ssyncadd.s32 $0xFFFF3800  }
0x279: {  	_ =	swait.ge [sflag:s14], $0xC800  }
0x27a: {  	[sflag:s14] =	ssyncset.done $0x0  }
0x27b: {  	[sflag:s14] =	ssyncadd.s32 $0xFFFF3800  }
0x27c: {  	[tilespmem:s10], [sflag:$0x4] =	stream.indirect.gather [hbm4b:s3+s31], $0x8, s31, s31, $0xb8;
	[tilespmem:$0x1C200] =	vst v63  }
0x27d: {  	_ = 	snop  }
0x27e: {  	[hbm4b:s20+s2] =	stream.linear.scatter [tilespmem:s8], [sflag:$0x5], $0xC800, $0x38;
	[tilespmem:$0x1C200] =	vst v63  }
0x27f: {  	_ = 	snop  }
0x280: {  	[tilespmem:s2], [sflag:$0x1] =	stream.linear.gather [hbm4b:s22+s2], $0x1900, $0x38;
	[tilespmem:$0x1C200] =	vst v63  }
0x281: {  	_ =	swait.ge [sflag:s18], $0x1900  }
0x282: {  	[sflag:s18] =	ssyncset.done $0x0  }
0x283: {  	[sflag:s18] =	ssyncadd.s32 $0xFFFFE700  }
0x284: {  	_ =	swait.ge [sflag:s9], $0xC800  }
0x285: {  	[sflag:s9] =	ssyncset.done $0x0  }
0x286: {  	[sflag:s9] =	ssyncadd.s32 $0xFFFF3800  }
0x287: {  	_ =	swait.ge [sflag:s13], $0xC800  }
0x288: {  	[sflag:s13] =	ssyncset.done $0x0  }
0x289: {  	[sflag:s13] =	ssyncadd.s32 $0xFFFF3800  }
0x28a: {  	[tilespmem:s8], [sflag:$0x3] =	stream.indirect.gather [hbm4b:s3+s31], $0x8, s2, s31, $0xb8;
	[tilespmem:$0x1C200] =	vst v63  }
0x28b: {  	s30 =	rddreg [dreg:$0x12]  }
0x28c: {  	[hbm4b:s30+s2] =	stream.linear.scatter [tilespmem:s10], [sflag:$0x6], $0xC800, $0x38;
	[tilespmem:$0x1C200] =	vst v63  }
0x28d: {  	_ = 	snop  }
0x28e: {  	[tilespmem:s31], [sflag:$0x2] =	stream.linear.gather [hbm4b:s21+s2], $0x1900, $0x38;
	[tilespmem:$0x1C200] =	vst v63  }
0x28f: {  	_ =	swait.ge [sflag:s15], $0x1900  }
0x290: {  	[sflag:s15] =	ssyncset.done $0x0  }
0x291: {  	[sflag:s15] =	ssyncadd.s32 $0xFFFFE700  }
0x292: {  	_ =	swait.ge [sflag:s7], $0xC800  }
0x293: {  	[sflag:s7] =	ssyncset.done $0x0  }
0x294: {  	[sflag:s7] =	ssyncadd.s32 $0xFFFF3800  }
0x295: {  	_ =	swait.ge [sflag:s14], $0xC800  }
0x296: {  	[sflag:s14] =	ssyncset.done $0x0  }
0x297: {  	[sflag:s14] =	ssyncadd.s32 $0xFFFF3800  }
0x298: {  	[tilespmem:s10], [sflag:$0x4] =	stream.indirect.gather [hbm4b:s3+s31], $0x8, s31, s31, $0xb8;
	[tilespmem:$0x1C200] =	vst v63  }
0x299: {  	_ = 	snop  }
0x29a: {  	[hbm4b:s17+s2] =	stream.linear.scatter [tilespmem:s8], [sflag:$0x5], $0xC800, $0x38;
	[tilespmem:$0x1C200] =	vst v63  }
0x29b: {  	_ = 	snop  }
0x29c: {  	[tilespmem:s2], [sflag:$0x1] =	stream.linear.gather [hbm4b:s19+s2], $0x1900, $0x38;
	[tilespmem:$0x1C200] =	vst v63  }
0x29d: {  	_ =	swait.ge [sflag:s18], $0x1900  }
0x29e: {  	[sflag:s18] =	ssyncset.done $0x0  }
0x29f: {  	[sflag:s18] =	ssyncadd.s32 $0xFFFFE700  }
0x2a0: {  	_ =	swait.ge [sflag:s9], $0xC800  }
0x2a1: {  	[sflag:s9] =	ssyncset.done $0x0  }
0x2a2: {  	[sflag:s9] =	ssyncadd.s32 $0xFFFF3800  }
0x2a3: {  	_ =	swait.ge [sflag:s13], $0xC800  }
0x2a4: {  	[sflag:s13] =	ssyncset.done $0x0  }
0x2a5: {  	[sflag:s13] =	ssyncadd.s32 $0xFFFF3800  }
0x2a6: {  	[tilespmem:s8], [sflag:$0x3] =	stream.indirect.gather [hbm4b:s3+s31], $0x8, s2, s31, $0xb8;
	[tilespmem:$0x1C200] =	vst v63  }
0x2a7: {  	_ = 	snop  }
0x2a8: {  	[hbm4b:s12+s2] =	stream.linear.scatter [tilespmem:s10], [sflag:$0x6], $0xC800, $0x38;
	[tilespmem:$0x1C200] =	vst v63  }
0x2a9: {  	_ = 	snop  }
0x2aa: {  	[tilespmem:s31], [sflag:$0x2] =	stream.linear.gather [hbm4b:s16+s2], $0x1900, $0x38;
	[tilespmem:$0x1C200] =	vst v63  }
0x2ab: {  	_ =	swait.ge [sflag:s15], $0x1900  }
0x2ac: {  	[sflag:s15] =	ssyncset.done $0x0  }
0x2ad: {  	[sflag:s15] =	ssyncadd.s32 $0xFFFFE700  }
0x2ae: {  	_ =	swait.ge [sflag:s7], $0xC800  }
0x2af: {  	[sflag:s7] =	ssyncset.done $0x0  }
0x2b0: {  	[sflag:s7] =	ssyncadd.s32 $0xFFFF3800  }
0x2b1: {  	_ =	swait.ge [sflag:s14], $0xC800  }
0x2b2: {  	[sflag:s14] =	ssyncset.done $0x0  }
0x2b3: {  	[sflag:s14] =	ssyncadd.s32 $0xFFFF3800  }
0x2b4: {  	[tilespmem:s10], [sflag:$0x4] =	stream.indirect.gather [hbm4b:s3+s31], $0x8, s31, s31, $0xb8;
	[tilespmem:$0x1C200] =	vst v63  }
0x2b5: {  	_ = 	snop  }
0x2b6: {  	[hbm4b:s11+s2] =	stream.linear.scatter [tilespmem:s8], [sflag:$0x5], $0xC800, $0x38;
	[tilespmem:$0x1C200] =	vst v63  }
0x2b7: {  	_ =	swait.ge [sflag:s13], $0xC800  }
0x2b8: {  	[sflag:s13] =	ssyncset.done $0x0  }
0x2b9: {  	[sflag:s13] =	ssyncadd.s32 $0xFFFF3800  }
0x2ba: {  	[hbm4b:s5+s2] =	stream.linear.scatter [tilespmem:s10], [sflag:$0x6], $0xC800, $0x38;
	[tilespmem:$0x1C200] =	vst v63  }
0x2bb: {  	_ =	swait.ge [sflag:s9], $0xC800  }
0x2bc: {  	[sflag:s9] =	ssyncset.done $0x0  }
0x2bd: {  	[sflag:s9] =	ssyncadd.s32 $0xFFFF3800  }
0x2be: {  	_ =	swait.ge [sflag:s7], $0xC800  }
0x2bf: {  	[sflag:s7] =	ssyncset.done $0x0  }
0x2c0: {  	[sflag:s7] =	ssyncadd.s32 $0xFFFF3800  }
0x2c1: {  	_ =	sfence.sel $0x180000  }
0x2c2: {  	[bflag:$0x0] =	sbarrier.arrive $0xFFFF  }
0x2c3: {  	_ =	strace $0x90000047  }
0x2c4: {  	s31 =	stileid.u32;
	[bflag:$0x2] =	sbarrier.arrive $0xFFFF  }
0x2c5: {  	p0 =	sne.s32 s31, $0x0;
	s0 =	rddreg [dreg:$0x2]  }
0x2c6: {  	s0 =	sadd.s32 @!p0 $0x100000, s0  }
0x2c7: {  	[sflag:s0] =	ssyncadd.tile.s32 @!p0 $0x1;
	_ =	shalt  }
.Lfunc_end2:
_tile_overlayer_lowered:
.L_overlay_start_2:
0x2c8: {  	(tag) =	ssettag $0x2  }
0x2c9: {  	s0 =	rddreg [dreg:$0x0];
	s2 =	stileid.u32  }
0x2ca: {  	s1 =	rddreg [dreg:$0x1];
	p0 =	sne.s32 s2, $0x0  }
0x2cb: {  	s3 =	rddreg [dreg:$0x2];
	[bflag:$0x3] =	sbarrier.arrive $0xFFFF;
	s2 =	simm.s32 @!p0 $0x1C07  }
0x2cc: {  	[timem:s3], [sflag:s2] =	dma.local @!p0 [hbm:s0], s1  }
0x2cd: {  	s0 =	simm.s32 @!p0 $0x7  }
0x2ce: {  	_ =	swait.ge @!p0 [sflag:s0], s1  }
0x2cf: {  	s1 =	ssub.s32 @!p0 $0x0, s1;
	[sflag:s0] =	ssyncset.done @!p0 $0x0  }
0x2d0: {  	[sflag:s0] =	ssyncadd.s32 @!p0 s1  }
0x2d1: {  	[bflag:$0x3] =	sbarrier.arrive $0xFFFF  }
0x2d2: {  	_ =	shalt  }

// kernel: sparse-core-data-format-call.cloned.1.call-start
scs
called_computation_lowered:
.L_overlay_start_0:
0x0: {  	s2 =	sld [smem:$0x3FD9]  }
0x1: {  	s3 =	sld [smem:$0x3FFE];
	_ =	sdelay $0x1  }
0x2: {  	s1 =	srdreg.scid  }
0x3: {  	s0 =	sand.u32 $0x1, s1  }
0x4: {  	s18 =	sshll.u32 s0, $0xA;
	s2 =	sadd.s32 s3, s2  }
0x5: {  	s2 =	sadd.s32 s2, s18  }
0x6: {  	[smem:$0x3FC6] =	sst s2  }
0x7: {  	_ = 	snop  }
0x8: {  	s2 =	sld [smem:$0x3FD0];
	(tm) =	ssettm $0x1  }
0x9: {  	s19 =	sld [smem:$0x3FFB];
	_ =	sdelay $0x3  }
0xa: {  	_ =	strace s19  }
0xb: {  	s3 =	sld [smem:$0x3FFC];
	_ =	sdelay $0x3  }
0xc: {  	_ =	strace s3  }
0xd: {  	s3 =	sld [smem:$0x3FFD];
	_ =	sdelay $0x3  }
0xe: {  	_ =	strace s3  }
0xf: {  	_ =	strace $0x8FFFFFFF  }
0x10: {  	s20 =	sld [smem:$0x3FDB];
	_ =	sdelay $0x1  }
0x11: {  	s4 =	simm.s32 $_scs_section_size  }
0x12: {  	s5 =	simm.s32 $_size__tile_overlayer_lowered;
	s6 =	simm.s32 $_tile_overlayer_lowered  }
0x13: {  	s23 =	simm.s32 $0x1BFF;
	s22 =	sshll.u32 s6, $0x1;
	s3 =	sadd.s32 s4, s20  }
0x14: {  	s7 =	simm.s32 $0x0;
	s21 =	sshll.u32 s5, $0x1;
	s5 =	sadd.s32 s22, s3  }
0x15: {  	[timem:s7], [sflag:s23] =	dma.local [hbm:s5], s21  }
0x16: {  	_ =	swait.ge [sflag:s23], s21  }
0x17: {  	s4 =	ssub.s32 $0x0, s21;
	[sflag:s23] =	ssyncset.done $0x0  }
0x18: {  	[sflag:s23] =	ssyncadd.s32 s4;
	_ =	sdelay $0x1  }
0x19: {  	s24 =	simm.s32 $0x1B8B  }
0x1a: {  	_ =	swait.ge [sflag:s24], $0x1  }
0x1b: {  	[sflag:s24] =	ssyncset.done $0x0  }
0x1c: {  	s26 =	simm.s32 $0x1B8E;
	s25 =	sld [smem:$0x3FFE];
	[sflag:s24] =	ssyncadd.s32 $0xFFFFFFFF  }
0x1d: {  	s27 =	simm.s32 $execute0_lowered;
	[smem:$0x3FD2] =	sst s26  }
0x1e: {  	s5 =	sshll.u32 s27, $0x1;
	_ =	strace $0x80000049;
	[dreg:$0x1] =	wrdreg $0xFFFFFFFF  }
0x1f: {  	s28 =	simm.s32 $_size_execute0_lowered;
	s3 =	sadd.s32 s3, s5;
	[dreg:$0x0] =	wrdreg $0x0  }
0x20: {  	s5 =	sshll.u32 s28, $0x1;
	[dreg:$0x2] =	wrdreg s3  }
0x21: {  	[dreg:$0x3] =	wrdreg s5  }
0x22: {  	[dreg:$0x4] =	wrdreg $0xC0  }
0x23: {  	_ =	task [dreg:s7], $0x5FFFF  }
0x24: {  	[dreg:$0x1] =	wrdreg $0xFFFFFFFF  }
0x25: {  	[dreg:$0x0] =	wrdreg $0x60  }
0x26: {  	[dreg:$0x2] =	wrdreg s25  }
0x27: {  	[dreg:$0x3] =	wrdreg s2  }
0x28: {  	[dreg:$0x4] =	wrdreg $0x9  }
0x29: {  	_ =	task.clear_ibuf [dreg:s7], $0x5FFFF;
	_ =	strace $0x90000049  }
0x2a: {  	s29 =	simm.s32 $0x9;
	_ =	strace $0x8000004B  }
0x2b: {  	_ =	swait.ge [sflag:s29], $0x1  }
0x2c: {  	[sflag:s29] =	ssyncadd.s32 $0xFFFFFFFF  }
0x2d: {  	_ =	strace $0x9000004B  }
0x2e: {  	_ =	sfence  }
0x2f: {  	s30 =	sld [smem:$0x0];
	_ =	sdelay $0x2  }
0x30: {  	s31 =	sshll.u32 s1, $0xD;
	s1 =	sshrl.u32 s1, $0x2  }
0x31: {  	s3 =	sand.u32 $0x4000, s31;
	s1 =	sadd.s32 s1, s30  }
0x32: {  	s0 =	sor.u32 s3, s0;
	s1 =	sshll.u32 s1, $0x11  }
0x33: {  	s0 =	sor.u32 s1, s0  }
0x34: {  	s0 =	sadd.s32 $0x8F2B, s0  }
0x35: {  	[sflag:s0] =	ssyncadd.remote.s32 $0x1  }
0x36: {  	_ =	sfence.sel $0xFFFF  }
0x37: {  	[dreg:$0x0] =	wrdreg $0xFFFFFFFF;
	(pc) =	sbr.abs _section_cstart, $3  }
0x38: {  	[dreg:$0x1] =	wrdreg $0xFFFFFFFF  }
0x39: {  	_ =	task.clear_ibuf [dreg:s7], $0x2FFFF;
	_ =	strace $0x9FFFFFFF  }
0x3a: {  	(tm) =	ssettm $0x7FFFFFFF  }
0x3b: {  	_ =	shalt  }
tec
execute0_lowered:
.L_overlay_start_1:
0x0: {  	(tag) =	ssettag $0x1  }
0x1: {  	s0 =	srdreg.scid  }
0x2: {  	s1 =	sshll.u32 s0, $0x4  }
0x3: {  	s6 =	rddreg [dreg:$0x0];
	s0 =	stileid.u32;
	s1 =	sand.u32 $0x10, s1  }
0x4: {  	s3 =	rddreg [dreg:$0x1];
	s1 =	sor.u32 s0, s1  }
0x5: {  	s7 =	simm.s32 $0x1;
	s8 =	simm.s32 $0x2;
	s2 =	sshll.u32 s1, $0x7  }
0x6: {  	s10 =	simm.s32 $0x0;
	s9 =	simm.s32 $0x0;
	s5 =	ssub.s32 $0x320000, s2  }
.Ltmp0:
0x7: {  	s6 =	sadd.s32 $0x3268C00, s6;
	s4 =	sand.u32 $0xF80, s5;
	(pc) =	sbr.rel .LBB1_1-.Ltmp0, $4  }
0x8: {  	s1 =	rddreg [dreg:$0x2];
	_ =	strace $0x8000004A;
	p0 =	sne.s32 s4, $0x0  }
0x9: {  	s5 =	sshrl.u32 s5, $0xC;
	s4 =	simm.s32 $0x1;
	s7 =	simm.s32 @!p0 $0x0  }
0xa: {  	[sflag:s4] =	ssyncpa.u1 $0x0;
	p0 =	por $0x0, $0x0;
	s5 =	sadd.s32 s7, s5  }
0xb: {  	[sflag:s8] =	ssyncpa.u1 $0x0;
	s8 =	smov.u32 s2;
	s7 =	sadd.s32 $0x1, s5  }
.LBB1_4:
0xc: {  	[tilespmem:s20+$0xFFFFFFFA ss:$0x81] =	vst.msk $0xff, v4  }
0xd: {  	v4 =	vld.msk [tilespmem:s21+$0xFFFFFFF0], $0xff;
	_ =	sdelay $0x3  }
0xe: {  	[tilespmem:s18+$0xFFFFFFFB ss:$0x81] =	vst.msk $0xff, v3  }
0xf: {  	v3 =	vld.msk [tilespmem:s19+$0xFFFFFFF8], $0xff;
	[tilespmem:s20+$0xFFFFFFFB ss:$0x81] =	vst.msk $0xff, v4  }
0x10: {  	v4 =	vld.msk [tilespmem:s21+$0xFFFFFFF8], $0xff;
	_ =	sdelay $0x3  }
0x11: {  	v5 =	vld.msk [tilespmem:s17+$0x0], $0xff;
	[tilespmem:s18+$0xFFFFFFFC ss:$0x81] =	vst.msk $0xff, v3  }
0x12: {  	v3 =	vld.msk [tilespmem:s19+$0x0], $0xff;
	[tilespmem:s20+$0xFFFFFFFC ss:$0x81] =	vst.msk $0xff, v4  }
0x13: {  	v4 =	vld.msk [tilespmem:s21+$0x0], $0xff;
	_ =	sdelay $0x2  }
0x14: {  	[tilespmem:s16+$0xFFFFFFFD ss:$0x81] =	vst.msk $0xff, v5  }
0x15: {  	v5 =	vld.msk [tilespmem:s17+$0x8], $0xff;
	[tilespmem:s18+$0xFFFFFFFD ss:$0x81] =	vst.msk $0xff, v3  }
0x16: {  	v3 =	vld.msk [tilespmem:s19+$0x8], $0xff;
	[tilespmem:s20+$0xFFFFFFFD ss:$0x81] =	vst.msk $0xff, v4  }
0x17: {  	v4 =	vld.msk [tilespmem:s21+$0x8], $0xff;
	_ =	sdelay $0x1  }
0x18: {  	[tilespmem:s13+$0xFFFFFFFE ss:$0x81] =	vst.msk $0xff, v2  }
0x19: {  	v2 =	vld.msk [tilespmem:s15+$0x10], $0xff;
	[tilespmem:s16+$0xFFFFFFFE ss:$0x81] =	vst.msk $0xff, v5  }
0x1a: {  	v5 =	vld.msk [tilespmem:s17+$0x10], $0xff;
	[tilespmem:s18+$0xFFFFFFFE ss:$0x81] =	vst.msk $0xff, v3  }
0x1b: {  	v3 =	vld.msk [tilespmem:s19+$0x10], $0xff;
	[tilespmem:s20+$0xFFFFFFFE ss:$0x81] =	vst.msk $0xff, v4  }
0x1c: {  	v4 =	vld.msk [tilespmem:s21+$0x10], $0xff  }
0x1d: {  	s23 =	sshll.u32 s10, $0x3;
	[tilespmem:s12+$0xFFFFFFFF ss:$0x81] =	vst.msk $0xff, v1  }
0x1e: {  	s26 =	sand.u32 $0x7F, s10;
	s24 =	sand.u32 $0xFFFFFC00, s23;
	v1 =	vld.msk [tilespmem:s14+$0x18], $0xff;
	[tilespmem:s13+$0xFFFFFFFF ss:$0x81] =	vst.msk $0xff, v2  }
0x1f: {  	s28 =	smulhi.u32 $0x51EB851F, s23;
	s10 =	sor.u32 s26, s24;
	v2 =	vld.msk [tilespmem:s15+$0x18], $0xff;
	[tilespmem:s16+$0xFFFFFFFF ss:$0x81] =	vst.msk $0xff, v5  }
0x20: {  	s27 =	smulhi.u32 $0x51EB851F, s10;
	v61 =	vld.msk [tilespmem:s17+$0x18], $0xff;
	[tilespmem:s18+$0xFFFFFFFF ss:$0x81] =	vst.msk $0xff, v3  }
0x21: {  	v62 =	vld.msk [tilespmem:s19+$0x18], $0xff;
	[tilespmem:s20+$0xFFFFFFFF ss:$0x81] =	vst.msk $0xff, v4  }
0x22: {  	[tilespmem:s11+$0x0 ss:$0x81] =	vst.msk $0xff, v0;
	s30 =	sshrl.u32 s28, $0x14;
	s29 =	sshrl.u32 s27, $0x14;
	v63 =	vld.msk [tilespmem:s21+$0x18], $0xff  }
0x23: {  	s31 =	sand.u32 $0x7, s30;
	[tilespmem:s12+$0x0 ss:$0x81] =	vst.msk $0xff, v1;
	s11 =	smul.u32 $0x320000, s29  }
0x24: {  	s12 =	smul.u32 $0x64000, s31;
	[tilespmem:s13+$0x0 ss:$0x81] =	vst.msk $0xff, v2  }
0x25: {  	s10 =	ssub.s32 s10, s11;
	[tilespmem:s16+$0x0 ss:$0x81] =	vst.msk $0xff, v61  }
0x26: {  	s12 =	sadd.s32 s3, s12;
	s11 =	sshrl.u32 s10, $0x3;
	[tilespmem:s18+$0x0 ss:$0x81] =	vst.msk $0xff, v62  }
0x27: {  	s10 =	sand.u32 $0x7, s10;
	s11 =	sadd.s32 s11, s12;
	[tilespmem:s20+$0x0 ss:$0x81] =	vst.msk $0xff, v63  }
0x28: {  	[hbm4b:s11+s10] =	stream.linear.scatter [tilespmem:s22], [sflag:$0x2], $0x400, $0x20;
	[tilespmem:$0x1010] =	vst v63  }
.LBB1_5:
0x29: {  	s12 =	sadd.s32 $0x1000, s8  }
0x2a: {  	p2 =	sgt.s32 s12, $0x31FFFF  }
0x2b: {  	s12 =	smov.u32 @p2 s2;
	p2 =	sne.s32 s9, s7  }
.Ltmp1:
0x2c: {  	p1 =	slt.u32 s9, $0x2;
	(pc) =	sbr.rel @!p2 .LBB1_6-.Ltmp1, $4  }
0x2d: {  	s11 =	simm.s32 @!p1 $0x2  }
0x2e: {  	s13 =	sadd.s32 $0x1, s9;
	_ =	swait.ge @!p1 [sflag:s11], $0x400  }
0x2f: {  	s10 =	smov.u32 s8;
	p0 =	por !p0, !p0;
	[sflag:s11] =	ssyncset.done @!p1 $0x0  }
0x30: {  	s9 =	smov.u32 s13;
	s8 =	smov.u32 s12;
	[sflag:s11] =	ssyncadd.s32 @!p1 $0xFFFFFC00  }
.LBB1_1:
0x31: {  	p1 =	sge.u32 s9, s5  }
0x32: {  	s11 =	sand.u32 @!p1 $0x1FFFFFF, s8  }
0x33: {  	s12 =	smulhi.u32 @!p1 $0x147AE15, s11;
	_ =	sdelay $0x1  }
0x34: {  	s12 =	sshrl.u32 @!p1 s12, $0xE  }
0x35: {  	s12 =	smul.u32 @!p1 $0x320000, s12;
	_ =	sdelay $0x1  }
0x36: {  	s31 =	sadd.s32 $0xFFFFFFFF, s9;
	s13 =	sxor.u32 @!p1 $0xFFFFFFFF, s9;
	s11 =	ssub.s32 @!p1 s11, s12  }
0x37: {  	s14 =	simm.s32 @!p1 $0x80;
	s13 =	sshll.u32 @!p1 s13, $0xA;
	s11 =	sshll.u32 @!p1 s11, $0x4  }
0x38: {  	s12 =	sand.u32 @!p1 $0x400, s13;
	s13 =	simm.s32 @!p1 $0x8;
	s11 =	sadd.s32 @!p1 s6, s11  }
0x39: {  	[tilespmem:s12], [sflag:$0x1] =	stream.strided.gather @!p1 [hbm4b:s11+s13], $0x400, s14, s13, $0x38;
	[tilespmem:$0x1010] =	vst v63  }
0x3a: {  	p1 =	sge.u32 s31, s5  }
.Ltmp2:
0x3b: {  	_ = 	snop;
	(pc) =	sbr.rel @p1 .LBB1_5-.Ltmp2, $1  }
0x3c: {  	_ =	sdelay $0x3  }
0x3d: {  	s11 =	simm.s32 $0x1  }
0x3e: {  	_ =	swait.ge [sflag:s4], $0x400;
	s11 =	simm.s32 @!p0 $0x0  }
0x3f: {  	[sflag:s4] =	ssyncset.done $0x0;
	s12 =	sshll.u32 s11, $0xA  }
0x40: {  	[sflag:s4] =	ssyncadd.s32 $0xFFFFFC00;
	s20 =	sor.u32 $0x20, s12  }
0x41: {  	v0 =	vld.msk [tilespmem:s20+$0xFFFFFFE0], $0xff  }
0x42: {  	s11 =	smul.u32 $0x1020, s11;
	_ =	sdelay $0x1  }
0x43: {  	s11 =	sshrl.u32 s11, $0x2  }
0x44: {  	s11 =	sor.u32 $0x807, s11  }
0x45: {  	[tilespmem:s11+$0xFFFFFFF9 ss:$0x81] =	vst.msk $0xff, v0  }
0x46: {  	v0 =	vld.msk [tilespmem:s20+$0xFFFFFFE8], $0xff  }
0x47: {  	s14 =	sadd.s32 $0x40, s20  }
0x48: {  	v1 =	vld.msk [tilespmem:s14+$0xFFFFFFE0], $0xff;
	_ =	sdelay $0x2  }
0x49: {  	[tilespmem:s11+$0xFFFFFFFA ss:$0x81] =	vst.msk $0xff, v0  }
0x4a: {  	s12 =	sadd.s32 $0x8, s11;
	v0 =	vld.msk [tilespmem:s20+$0xFFFFFFF0], $0xff  }
0x4b: {  	[tilespmem:s12+$0xFFFFFFF9 ss:$0x81] =	vst.msk $0xff, v1  }
0x4c: {  	v1 =	vld.msk [tilespmem:s14+$0xFFFFFFE8], $0xff  }
0x4d: {  	s15 =	sadd.s32 $0x40, s14  }
0x4e: {  	v2 =	vld.msk [tilespmem:s15+$0xFFFFFFE0], $0xff  }
0x4f: {  	[tilespmem:s11+$0xFFFFFFFB ss:$0x81] =	vst.msk $0xff, v0  }
0x50: {  	v0 =	vld.msk [tilespmem:s20+$0xFFFFFFF8], $0xff  }
0x51: {  	[tilespmem:s12+$0xFFFFFFFA ss:$0x81] =	vst.msk $0xff, v1  }
0x52: {  	s13 =	sadd.s32 $0x8, s12;
	v1 =	vld.msk [tilespmem:s14+$0xFFFFFFF0], $0xff  }
0x53: {  	[tilespmem:s13+$0xFFFFFFF9 ss:$0x81] =	vst.msk $0xff, v2  }
0x54: {  	s17 =	sadd.s32 $0x40, s15;
	v2 =	vld.msk [tilespmem:s15+$0xFFFFFFE8], $0xff  }
0x55: {  	[tilespmem:s11+$0xFFFFFFFC ss:$0x81] =	vst.msk $0xff, v0;
	v0 =	vld.msk [tilespmem:s17+$0xFFFFFFE0], $0xff  }
0x56: {  	v3 =	vld.msk [tilespmem:s20+$0x0], $0xff  }
0x57: {  	[tilespmem:s12+$0xFFFFFFFB ss:$0x81] =	vst.msk $0xff, v1  }
0x58: {  	v1 =	vld.msk [tilespmem:s14+$0xFFFFFFF8], $0xff  }
0x59: {  	s16 =	sadd.s32 $0x8, s13;
	[tilespmem:s13+$0xFFFFFFFA ss:$0x81] =	vst.msk $0xff, v2  }
0x5a: {  	v2 =	vld.msk [tilespmem:s15+$0xFFFFFFF0], $0xff;
	[tilespmem:s16+$0xFFFFFFF9 ss:$0x81] =	vst.msk $0xff, v0  }
0x5b: {  	v0 =	vld.msk [tilespmem:s17+$0xFFFFFFE8], $0xff;
	[tilespmem:s11+$0xFFFFFFFD ss:$0x81] =	vst.msk $0xff, v3  }
0x5c: {  	s19 =	sadd.s32 $0x40, s17;
	v3 =	vld.msk [tilespmem:s20+$0x8], $0xff  }
0x5d: {  	[tilespmem:s12+$0xFFFFFFFC ss:$0x81] =	vst.msk $0xff, v1;
	v1 =	vld.msk [tilespmem:s19+$0xFFFFFFE0], $0xff  }
0x5e: {  	v4 =	vld.msk [tilespmem:s14+$0x0], $0xff  }
0x5f: {  	[tilespmem:s13+$0xFFFFFFFB ss:$0x81] =	vst.msk $0xff, v2  }
0x60: {  	v2 =	vld.msk [tilespmem:s15+$0xFFFFFFF8], $0xff;
	[tilespmem:s16+$0xFFFFFFFA ss:$0x81] =	vst.msk $0xff, v0  }
0x61: {  	s18 =	sadd.s32 $0x8, s16;
	v0 =	vld.msk [tilespmem:s17+$0xFFFFFFF0], $0xff;
	[tilespmem:s11+$0xFFFFFFFE ss:$0x81] =	vst.msk $0xff, v3  }
0x62: {  	[tilespmem:s18+$0xFFFFFFF9 ss:$0x81] =	vst.msk $0xff, v1;
	v1 =	vld.msk [tilespmem:s20+$0x10], $0xff  }
0x63: {  	[tilespmem:s12+$0xFFFFFFFD ss:$0x81] =	vst.msk $0xff, v4;
	v3 =	vld.msk [tilespmem:s19+$0xFFFFFFE8], $0xff  }
0x64: {  	s21 =	sadd.s32 $0x40, s19;
	v4 =	vld.msk [tilespmem:s14+$0x8], $0xff  }
0x65: {  	[tilespmem:s13+$0xFFFFFFFC ss:$0x81] =	vst.msk $0xff, v2;
	v2 =	vld.msk [tilespmem:s21+$0xFFFFFFE0], $0xff  }
0x66: {  	v5 =	vld.msk [tilespmem:s15+$0x0], $0xff;
	[tilespmem:s16+$0xFFFFFFFB ss:$0x81] =	vst.msk $0xff, v0  }
0x67: {  	v6 =	vld.msk [tilespmem:s17+$0xFFFFFFF8], $0xff;
	[tilespmem:s11+$0xFFFFFFFF ss:$0x81] =	vst.msk $0xff, v1  }
0x68: {  	s22 =	sand.u32 $0x1, s9;
	[tilespmem:s18+$0xFFFFFFFA ss:$0x81] =	vst.msk $0xff, v3;
	v0 =	vld.msk [tilespmem:s20+$0x18], $0xff  }
0x69: {  	s22 =	smul.u32 $0x1020, s22;
	[tilespmem:s12+$0xFFFFFFFE ss:$0x81] =	vst.msk $0xff, v4;
	v3 =	vld.msk [tilespmem:s19+$0xFFFFFFF0], $0xff;
	s20 =	sadd.s32 $0x8, s18  }
0x6a: {  	v1 =	vld.msk [tilespmem:s14+$0x10], $0xff;
	[tilespmem:s20+$0xFFFFFFF9 ss:$0x81] =	vst.msk $0xff, v2  }
0x6b: {  	s22 =	sshrl.u32 s22, $0x2;
	[tilespmem:s13+$0xFFFFFFFD ss:$0x81] =	vst.msk $0xff, v5;
	v4 =	vld.msk [tilespmem:s21+$0xFFFFFFE8], $0xff  }
0x6c: {  	s23 =	simm.s32 $0x28;
	s22 =	sor.u32 $0x800, s22;
	s24 =	sadd.s32 $0x40, s21;
	v2 =	vld.msk [tilespmem:s15+$0x8], $0xff;
	[tilespmem:s16+$0xFFFFFFFC ss:$0x81] =	vst.msk $0xff, v6  }
.LBB1_3:
0x6d: {  	v5 =	vld.msk [tilespmem:s24+$0xFFFFFFE0], $0xff;
	[tilespmem:s11+$0x0 ss:$0x81] =	vst.msk $0xff, v0;
	s11 =	smov.u32 s12;
	s12 =	smov.u32 s13;
	s13 =	smov.u32 s16  }
0x6e: {  	s23 =	sadd.s32 $0x8, s23;
	s16 =	smov.u32 s18;
	[tilespmem:s18+$0xFFFFFFFB ss:$0x81] =	vst.msk $0xff, v3;
	v6 =	vld.msk [tilespmem:s17+$0x0], $0xff;
	s18 =	smov.u32 s20  }
0x6f: {  	p1 =	slt.u32 s23, $0x78;
	v7 =	vld.msk [tilespmem:s19+$0xFFFFFFF8], $0xff;
	[tilespmem:s11+$0xFFFFFFFF ss:$0x81] =	vst.msk $0xff, v1  }
.Ltmp3:
0x70: {  	[tilespmem:s20+$0xFFFFFFFA ss:$0x81] =	vst.msk $0xff, v4;
	v0 =	vld.msk [tilespmem:s14+$0x18], $0xff;
	s14 =	smov.u32 s15;
	s15 =	smov.u32 s17;
	(pc) =	sbr.rel @p1 .LBB1_3-.Ltmp3, $4  }
0x71: {  	s20 =	sadd.s32 $0x8, s20;
	s17 =	smov.u32 s19;
	s19 =	smov.u32 s21;
	v3 =	vld.msk [tilespmem:s21+$0xFFFFFFF0], $0xff;
	[tilespmem:s12+$0xFFFFFFFE ss:$0x81] =	vst.msk $0xff, v2  }
0x72: {  	s21 =	smov.u32 s24;
	[tilespmem:s20+$0xFFFFFFF9 ss:$0x81] =	vst.msk $0xff, v5;
	v1 =	vld.msk [tilespmem:s14+$0x10], $0xff  }
0x73: {  	v4 =	vld.msk [tilespmem:s24+$0xFFFFFFE8], $0xff;
	[tilespmem:s13+$0xFFFFFFFD ss:$0x81] =	vst.msk $0xff, v6  }
0x74: {  	s24 =	sadd.s32 $0x40, s24;
	[tilespmem:s16+$0xFFFFFFFC ss:$0x81] =	vst.msk $0xff, v7;
	v2 =	vld.msk [tilespmem:s15+$0x8], $0xff  }
.Ltmp4:
0x75: {  	_ = 	snop;
	(pc) =	sbr.rel .LBB1_4-.Ltmp4, $1  }
0x76: {  	_ =	sdelay $0x3  }
.LBB1_6:
0x77: {  	_ =	sfence.sel $0x180000  }
0x78: {  	s2 =	simm.s32 $0x1;
	[bflag:$0x0] =	sbarrier.arrive $0xFFFF  }
0x79: {  	s31 =	simm.s32 $0x2;
	[sflag:s2] =	ssyncpa.u1 $0x1  }
0x7a: {  	[sflag:s31] =	ssyncpa.u1 $0x1  }
0x7b: {  	p0 =	sne.s32 s0, $0x0;
	_ =	strace $0x9000004A  }
0x7c: {  	s0 =	sadd.s32 @!p0 $0x100000, s1;
	[bflag:$0x2] =	sbarrier.arrive $0xFFFF  }
0x7d: {  	[sflag:s0] =	ssyncadd.tile.s32 @!p0 $0x1;
	_ =	shalt  }
.Lfunc_end1:
_tile_overlayer_lowered:
.L_overlay_start_2:
0x7e: {  	(tag) =	ssettag $0x2  }
0x7f: {  	s0 =	rddreg [dreg:$0x0];
	s2 =	stileid.u32  }
0x80: {  	s1 =	rddreg [dreg:$0x1];
	p0 =	sne.s32 s2, $0x0  }
0x81: {  	s3 =	rddreg [dreg:$0x2];
	[bflag:$0x3] =	sbarrier.arrive $0xFFFF;
	s2 =	simm.s32 @!p0 $0x1C01  }
0x82: {  	[timem:s3], [sflag:s2] =	dma.local @!p0 [hbm:s0], s1  }
0x83: {  	s0 =	simm.s32 @!p0 $0x1  }
0x84: {  	_ =	swait.ge @!p0 [sflag:s0], s1  }
0x85: {  	s1 =	ssub.s32 @!p0 $0x0, s1;
	[sflag:s0] =	ssyncset.done @!p0 $0x0  }
0x86: {  	[sflag:s0] =	ssyncadd.s32 @!p0 s1  }
0x87: {  	[bflag:$0x3] =	sbarrier.arrive $0xFFFF  }
0x88: {  	_ =	shalt  }

</sc_bundles>
